<compile_context>
chip_gen: v7x
topology: tpu7x:2x2x1
jax: 0.10.2.dev20260603
libtpu: 0.0.44.dev20260713+nightly
codegen_flags: <defaults>
</compile_context>

<pallas_src>
import jax
import jax.numpy as jnp
from jax import lax
from jax.experimental import pallas as pl
from jax.experimental.pallas import tpu as pltpu
from jax.experimental.pallas import tpu_sc as plsc

D = 64
NC, NS = 2, 16
NW = NC * NS
C = 128
SCALE = 8.0


def _emb_body(x_hbm, table_hbm, out_hbm, idx_v, gbufs, obufs, gsems, osems):
    nbuf = len(gbufs)
    nch = x_hbm.shape[1]
    wid = lax.axis_index("s") * NC + lax.axis_index("c")
    pltpu.sync_copy(x_hbm.at[wid], idx_v)

    for b in range(nbuf):
        pltpu.async_copy(table_hbm.at[idx_v.at[b]], gbufs[b], gsems[b])

    out_base = wid * (nch * C)

    @pl.loop(0, nch, step=nbuf)
    def _chunk(g):
        for b in range(nbuf):
            j = g + b
            pltpu.make_async_copy(
                table_hbm.at[idx_v.at[j]], gbufs[b], gsems[b]).wait()

            @pl.when(j >= nbuf)
            def _():
                pltpu.make_async_copy(
                    obufs[b],
                    out_hbm.at[pl.ds(out_base + (j - nbuf) * C, C)],
                    osems[b]).wait()

            @pl.loop(0, C, step=4)
            def _row(i):
                for u in range(4):
                    for c in range(4):
                        sl = pl.ds(c * 16, 16)
                        obufs[b][i + u, sl] = gbufs[b][i + u, sl] * SCALE

            @pl.when(j + nbuf < nch)
            def _():
                pltpu.async_copy(
                    table_hbm.at[idx_v.at[j + nbuf]], gbufs[b], gsems[b])

            pltpu.async_copy(
                obufs[b], out_hbm.at[pl.ds(out_base + j * C, C)], osems[b])

    for b in range(nbuf):
        pltpu.make_async_copy(
            obufs[b],
            out_hbm.at[pl.ds(out_base + (nch - nbuf + b) * C, C)],
            osems[b]).wait()


def kernel(x, table):
    B, S = x.shape
    n_idx = B * S
    assert n_idx % (NW * C) == 0
    nch = n_idx // (NW * C)
    x_r = x.reshape(NW, nch, C).astype(jnp.int32)

    nbuf = 4
    mesh = plsc.VectorSubcoreMesh(core_axis_name="c", subcore_axis_name="s")
    k = pl.kernel(
        _emb_body,
        out_type=jax.ShapeDtypeStruct((n_idx, D), jnp.float32),
        mesh=mesh,
        compiler_params=pltpu.CompilerParams(use_tc_tiling_on_sc=False),
        scratch_types=[
            pltpu.VMEM((nch, C), jnp.int32),
            [pltpu.VMEM((C, D), jnp.float32) for _ in range(nbuf)],
            [pltpu.VMEM((C, D), jnp.float32) for _ in range(nbuf)],
            [pltpu.SemaphoreType.DMA for _ in range(nbuf)],
            [pltpu.SemaphoreType.DMA for _ in range(nbuf)],
        ],
    )
    out = k(x_r, table)
    return out.reshape(B, S, D)

# --- scband reference (transcript-rebuilt; emitter-appended) ---
"""Pipeline reference for scband-embeddings-36739150250390 (READ-ONLY COPY).

The authoritative reference and input builder live on the scoring server;
editing this copy changes nothing except your own understanding.
"""

import jax, jax.numpy as jnp
import numpy as np
from math import sqrt

DMODEL = 64
VOCAB = 1000000

def setup_inputs(seed: int = 0) -> dict:
    key = jax.random.key(seed)
    k1, k2 = jax.random.split(key)
    x = jax.random.randint(k1, (4096, 200), 0, VOCAB, dtype=jnp.int64 if jax.config.jax_enable_x64 else jnp.int32)
    table = jax.random.normal(k2, (VOCAB, DMODEL), dtype=jnp.float32)
    return {"x": x, "table": table}

def reference(x, table):
    # nn.Embedding lookup followed by scaling by sqrt(d_model)
    emb = jnp.take(table, x, axis=0)
    return emb * sqrt(DMODEL)

if __name__ == "__main__":
    import jax
    _d = setup_inputs()
    print(jax.jit(kernel)(*tuple(_d.values())))

</pallas_src>

<mosaic_0001>
#map = affine_map<(d0, d1) -> (0, 0, 0)>
#map1 = affine_map<(d0, d1) -> (0, 0)>
module attributes {stable_mosaic.version = 14 : i64} {
  func.func @_emb_body(%arg0: i32, %arg1: i32, %arg2: memref<32x200x128xi32, #tpu.memory_space<hbm>>, %arg3: memref<1000000x64xf32, #tpu.memory_space<hbm>>, %arg4: memref<819200x64xf32, #tpu.memory_space<hbm>>, %arg5: memref<200x128xi32, #tpu.memory_space<vmem>>, %arg6: memref<128x64xf32, #tpu.memory_space<vmem>>, %arg7: memref<128x64xf32, #tpu.memory_space<vmem>>, %arg8: memref<128x64xf32, #tpu.memory_space<vmem>>, %arg9: memref<128x64xf32, #tpu.memory_space<vmem>>, %arg10: memref<128x64xf32, #tpu.memory_space<vmem>>, %arg11: memref<128x64xf32, #tpu.memory_space<vmem>>, %arg12: memref<128x64xf32, #tpu.memory_space<vmem>>, %arg13: memref<128x64xf32, #tpu.memory_space<vmem>>, %arg14: memref<!tpu.dma_semaphore, #tpu.memory_space<semaphore_mem>>, %arg15: memref<!tpu.dma_semaphore, #tpu.memory_space<semaphore_mem>>, %arg16: memref<!tpu.dma_semaphore, #tpu.memory_space<semaphore_mem>>, %arg17: memref<!tpu.dma_semaphore, #tpu.memory_space<semaphore_mem>>, %arg18: memref<!tpu.dma_semaphore, #tpu.memory_space<semaphore_mem>>, %arg19: memref<!tpu.dma_semaphore, #tpu.memory_space<semaphore_mem>>, %arg20: memref<!tpu.dma_semaphore, #tpu.memory_space<semaphore_mem>>, %arg21: memref<!tpu.dma_semaphore, #tpu.memory_space<semaphore_mem>>) attributes {dimension_semantics = [#tpu.dimension_semantics<core_parallel>, #tpu.dimension_semantics<subcore_parallel>], iteration_bounds = array<i64: 2, 16>, scalar_prefetch = 0 : i64, scratch_operands = 17 : i64, tpu.core_type = #tpu.core_type<sc_vector_subcore>, window_params = [{transform_indices = #map}, {transform_indices = #map1}, {transform_indices = #map1}]} {
    %mul3A = arith.constant 2 : i32
    %mul3A_0 = arith.muli %arg1, %mul3A : i32
    %add3A = arith.addi %mul3A_0, %arg0 : i32
    "tpu.region"() ({
      %run_scoped3A = tpu.sem_alloc : memref<!tpu.dma_semaphore, #tpu.memory_space<semaphore_mem>>
      %dma_start3A_57 = arith.constant 0 : i32
      %dma_start3A_58 = arith.constant 0 : i32
      %dma_start3A_59 = tpu.memref_slice %arg2[%add3A, %dma_start3A_57, %dma_start3A_58] : memref<32x200x128xi32, #tpu.memory_space<hbm>> -> memref<1x200x128xi32, #tpu.memory_space<hbm>>
      %dma_start3A_60 = tpu.memref_squeeze %dma_start3A_59 : memref<1x200x128xi32, #tpu.memory_space<hbm>> -> memref<200x128xi32, #tpu.memory_space<hbm>>
      %dma_start3A_61 = arith.constant 0 : i32
      %dma_start3A_62 = arith.constant 0 : i32
      %dma_start3A_63 = tpu.memref_slice %arg2[%add3A, %dma_start3A_61, %dma_start3A_62] : memref<32x200x128xi32, #tpu.memory_space<hbm>> -> memref<1x200x128xi32, #tpu.memory_space<hbm>>
      %dma_start3A_64 = tpu.memref_squeeze %dma_start3A_63 : memref<1x200x128xi32, #tpu.memory_space<hbm>> -> memref<200x128xi32, #tpu.memory_space<hbm>>
      tpu.enqueue_dma source(%dma_start3A_64 : memref<200x128xi32, #tpu.memory_space<hbm>>) target(%arg5 : memref<200x128xi32, #tpu.memory_space<vmem>>) target_semaphore(%run_scoped3A : memref<!tpu.dma_semaphore, #tpu.memory_space<semaphore_mem>>)
      %dma_wait3A_65 = arith.constant 0 : i32
      %dma_wait3A_66 = arith.constant 0 : i32
      %dma_wait3A_67 = tpu.memref_slice %arg2[%add3A, %dma_wait3A_65, %dma_wait3A_66] : memref<32x200x128xi32, #tpu.memory_space<hbm>> -> memref<1x200x128xi32, #tpu.memory_space<hbm>>
      %dma_wait3A_68 = tpu.memref_squeeze %dma_wait3A_67 : memref<1x200x128xi32, #tpu.memory_space<hbm>> -> memref<200x128xi32, #tpu.memory_space<hbm>>
      %dma_wait3A_69 = arith.constant 0 : i32
      %dma_wait3A_70 = arith.constant 0 : i32
      %dma_wait3A_71 = tpu.memref_slice %arg2[%add3A, %dma_wait3A_69, %dma_wait3A_70] : memref<32x200x128xi32, #tpu.memory_space<hbm>> -> memref<1x200x128xi32, #tpu.memory_space<hbm>>
      %dma_wait3A_72 = tpu.memref_squeeze %dma_wait3A_71 : memref<1x200x128xi32, #tpu.memory_space<hbm>> -> memref<200x128xi32, #tpu.memory_space<hbm>>
      tpu.wait_dma2 semaphore(%run_scoped3A : memref<!tpu.dma_semaphore, #tpu.memory_space<semaphore_mem>>) src(%dma_wait3A_72 : memref<200x128xi32, #tpu.memory_space<hbm>>) dst(%arg5 : memref<200x128xi32, #tpu.memory_space<vmem>>)
      tpu.yield
    }) : () -> ()
    %dma_start3A = arith.constant 0 : i32
    %dma_start3A_1 = arith.constant 0 : i32
    %dma_start3A_2 = tpu.memref_slice %arg5[%dma_start3A, %dma_start3A_1] : memref<200x128xi32, #tpu.memory_space<vmem>> -> memref<1x128xi32, #tpu.memory_space<vmem>>
    %dma_start3A_3 = tpu.memref_squeeze %dma_start3A_2 : memref<1x128xi32, #tpu.memory_space<vmem>> -> memref<128xi32, #tpu.memory_space<vmem>>
    %dma_start3A_4 = arith.constant 0 : i32
    %dma_start3A_5 = arith.constant 0 : i32
    %dma_start3A_6 = tpu.memref_slice %arg3[%dma_start3A_4, %dma_start3A_5] : memref<1000000x64xf32, #tpu.memory_space<hbm>> -> memref<1000000x64xf32, #tpu.memory_space<hbm>>
    tpu.enqueue_indirect_dma source(%dma_start3A_6 : memref<1000000x64xf32, #tpu.memory_space<hbm>>) target(%arg6 : memref<128x64xf32, #tpu.memory_space<vmem>>) offsets(%dma_start3A_3 : memref<128xi32, #tpu.memory_space<vmem>>) semaphore(%arg14 : memref<!tpu.dma_semaphore, #tpu.memory_space<semaphore_mem>>)
    %dma_start3A_7 = arith.constant 1 : i32
    %dma_start3A_8 = arith.constant 0 : i32
    %dma_start3A_9 = tpu.memref_slice %arg5[%dma_start3A_7, %dma_start3A_8] : memref<200x128xi32, #tpu.memory_space<vmem>> -> memref<1x128xi32, #tpu.memory_space<vmem>>
    %dma_start3A_10 = tpu.memref_squeeze %dma_start3A_9 : memref<1x128xi32, #tpu.memory_space<vmem>> -> memref<128xi32, #tpu.memory_space<vmem>>
    %dma_start3A_11 = arith.constant 0 : i32
    %dma_start3A_12 = arith.constant 0 : i32
    %dma_start3A_13 = tpu.memref_slice %arg3[%dma_start3A_11, %dma_start3A_12] : memref<1000000x64xf32, #tpu.memory_space<hbm>> -> memref<1000000x64xf32, #tpu.memory_space<hbm>>
    tpu.enqueue_indirect_dma source(%dma_start3A_13 : memref<1000000x64xf32, #tpu.memory_space<hbm>>) target(%arg7 : memref<128x64xf32, #tpu.memory_space<vmem>>) offsets(%dma_start3A_10 : memref<128xi32, #tpu.memory_space<vmem>>) semaphore(%arg15 : memref<!tpu.dma_semaphore, #tpu.memory_space<semaphore_mem>>)
    %dma_start3A_14 = arith.constant 2 : i32
    %dma_start3A_15 = arith.constant 0 : i32
    %dma_start3A_16 = tpu.memref_slice %arg5[%dma_start3A_14, %dma_start3A_15] : memref<200x128xi32, #tpu.memory_space<vmem>> -> memref<1x128xi32, #tpu.memory_space<vmem>>
    %dma_start3A_17 = tpu.memref_squeeze %dma_start3A_16 : memref<1x128xi32, #tpu.memory_space<vmem>> -> memref<128xi32, #tpu.memory_space<vmem>>
    %dma_start3A_18 = arith.constant 0 : i32
    %dma_start3A_19 = arith.constant 0 : i32
    %dma_start3A_20 = tpu.memref_slice %arg3[%dma_start3A_18, %dma_start3A_19] : memref<1000000x64xf32, #tpu.memory_space<hbm>> -> memref<1000000x64xf32, #tpu.memory_space<hbm>>
    tpu.enqueue_indirect_dma source(%dma_start3A_20 : memref<1000000x64xf32, #tpu.memory_space<hbm>>) target(%arg8 : memref<128x64xf32, #tpu.memory_space<vmem>>) offsets(%dma_start3A_17 : memref<128xi32, #tpu.memory_space<vmem>>) semaphore(%arg16 : memref<!tpu.dma_semaphore, #tpu.memory_space<semaphore_mem>>)
    %dma_start3A_21 = arith.constant 3 : i32
    %dma_start3A_22 = arith.constant 0 : i32
    %dma_start3A_23 = tpu.memref_slice %arg5[%dma_start3A_21, %dma_start3A_22] : memref<200x128xi32, #tpu.memory_space<vmem>> -> memref<1x128xi32, #tpu.memory_space<vmem>>
    %dma_start3A_24 = tpu.memref_squeeze %dma_start3A_23 : memref<1x128xi32, #tpu.memory_space<vmem>> -> memref<128xi32, #tpu.memory_space<vmem>>
    %dma_start3A_25 = arith.constant 0 : i32
    %dma_start3A_26 = arith.constant 0 : i32
    %dma_start3A_27 = tpu.memref_slice %arg3[%dma_start3A_25, %dma_start3A_26] : memref<1000000x64xf32, #tpu.memory_space<hbm>> -> memref<1000000x64xf32, #tpu.memory_space<hbm>>
    tpu.enqueue_indirect_dma source(%dma_start3A_27 : memref<1000000x64xf32, #tpu.memory_space<hbm>>) target(%arg9 : memref<128x64xf32, #tpu.memory_space<vmem>>) offsets(%dma_start3A_24 : memref<128xi32, #tpu.memory_space<vmem>>) semaphore(%arg17 : memref<!tpu.dma_semaphore, #tpu.memory_space<semaphore_mem>>)
    %mul3A_28 = arith.constant 25600 : i32
    %mul3A_29 = arith.muli %add3A, %mul3A_28 : i32
    %scan3A = arith.constant 0 : i32
    %scan3A_30 = arith.constant 50 : i32
    %scan3A_31 = arith.addi %scan3A, %scan3A_30 : i32
    %scan3A_32 = arith.constant 1 : i32
    scf.for %scan3A_57 = %scan3A to %scan3A_31 step %scan3A_32  : i32 {
      %mul3A_58 = arith.constant 4 : i32
      %mul3A_59 = arith.muli %scan3A_57, %mul3A_58 : i32
      %add3A_60 = arith.constant 0 : i32
      %add3A_61 = arith.addi %add3A_60, %mul3A_59 : i32
      %add3A_62 = arith.constant 0 : i32
      %add3A_63 = arith.addi %add3A_61, %add3A_62 : i32
      %dma_wait3A_64 = arith.constant 0 : i32
      %dma_wait3A_65 = tpu.memref_slice %arg5[%add3A_63, %dma_wait3A_64] : memref<200x128xi32, #tpu.memory_space<vmem>> -> memref<1x128xi32, #tpu.memory_space<vmem>>
      %dma_wait3A_66 = tpu.memref_squeeze %dma_wait3A_65 : memref<1x128xi32, #tpu.memory_space<vmem>> -> memref<128xi32, #tpu.memory_space<vmem>>
      %dma_wait3A_67 = arith.constant 0 : i32
      %dma_wait3A_68 = arith.constant 0 : i32
      %dma_wait3A_69 = tpu.memref_slice %arg3[%dma_wait3A_67, %dma_wait3A_68] : memref<1000000x64xf32, #tpu.memory_space<hbm>> -> memref<1000000x64xf32, #tpu.memory_space<hbm>>
      tpu.wait_indirect_dma semaphore(%arg14 : memref<!tpu.dma_semaphore, #tpu.memory_space<semaphore_mem>>) src(%dma_wait3A_69 : memref<1000000x64xf32, #tpu.memory_space<hbm>>) dst(%arg6 : memref<128x64xf32, #tpu.memory_space<vmem>>)
      %ge3A = arith.constant 4 : i32
      %ge3A_70 = arith.cmpi sge, %add3A_63, %ge3A : i32
      %convert_element_type3A = arith.extui %ge3A_70 : i1 to i32
      %cond3A = arith.constant 0 : i32
      %cond3A_71 = arith.cmpi ne, %convert_element_type3A, %cond3A : i32
      scf.if %cond3A_71 {
        %sub3A = arith.constant 4 : i32
        %sub3A_186 = arith.subi %add3A_63, %sub3A : i32
        %mul3A_187 = arith.constant 128 : i32
        %mul3A_188 = arith.muli %sub3A_186, %mul3A_187 : i32
        %add3A_189 = arith.addi %mul3A_29, %mul3A_188 : i32
        %dma_wait3A_190 = arith.constant 0 : i32
        %dma_wait3A_191 = tpu.memref_slice %arg4[%add3A_189, %dma_wait3A_190] : memref<819200x64xf32, #tpu.memory_space<hbm>> -> memref<128x64xf32, #tpu.memory_space<hbm>>
        %dma_wait3A_192 = arith.constant 0 : i32
        %dma_wait3A_193 = tpu.memref_slice %arg4[%add3A_189, %dma_wait3A_192] : memref<819200x64xf32, #tpu.memory_space<hbm>> -> memref<128x64xf32, #tpu.memory_space<hbm>>
        tpu.wait_dma2 semaphore(%arg18 : memref<!tpu.dma_semaphore, #tpu.memory_space<semaphore_mem>>) src(%arg10 : memref<128x64xf32, #tpu.memory_space<vmem>>) dst(%dma_wait3A_193 : memref<128x64xf32, #tpu.memory_space<hbm>>)
      } else {
      }
      %scan3A_72 = arith.constant 0 : i32
      %scan3A_73 = arith.constant 32 : i32
      %scan3A_74 = arith.addi %scan3A_72, %scan3A_73 : i32
      %scan3A_75 = arith.constant 1 : i32
      scf.for %scan3A_186 = %scan3A_72 to %scan3A_74 step %scan3A_75  : i32 {
        %mul3A_187 = arith.constant 4 : i32
        %mul3A_188 = arith.muli %scan3A_186, %mul3A_187 : i32
        %add3A_189 = arith.constant 0 : i32
        %add3A_190 = arith.addi %add3A_189, %mul3A_188 : i32
        %add3A_191 = arith.constant 0 : i32
        %add3A_192 = arith.addi %add3A_190, %add3A_191 : i32
        %get3A = arith.index_cast %add3A_192 : i32 to index
        %get3A_193 = arith.constant 0 : index
        %get3A_194 = tpu.vector_load %arg6[%get3A, %get3A_193] {strides = array<i32>} : memref<128x64xf32, #tpu.memory_space<vmem>>, vector<1x16xf32>,
        %get3A_195 = vector.shape_cast %get3A_194 : vector<1x16xf32> to vector<16xf32>
        %mul3A_196 = arith.constant 8.000000e+00 : f32
        %mul3A_197 = vector.broadcast %mul3A_196 : f32 to vector<16xf32>
        %mul3A_198 = arith.mulf %get3A_195, %mul3A_197 : vector<16xf32>
        %add3A_199 = arith.constant 0 : i32
        %add3A_200 = arith.addi %add3A_190, %add3A_199 : i32
        %swap3A = arith.index_cast %add3A_200 : i32 to index
        %swap3A_201 = arith.constant 0 : index
        %swap3A_202 = tpu.vector_load %arg10[%swap3A, %swap3A_201] {strides = array<i32>} : memref<128x64xf32, #tpu.memory_space<vmem>>, vector<1x16xf32>,
        %swap3A_203 = vector.shape_cast %swap3A_202 : vector<1x16xf32> to vector<16xf32>
        %swap3A_204 = vector.shape_cast %mul3A_198 : vector<16xf32> to vector<1x16xf32>
        tpu.vector_store %arg10[%swap3A, %swap3A_201], %swap3A_204 {strides = array<i32>} : memref<128x64xf32, #tpu.memory_space<vmem>>, vector<1x16xf32>,
        %add3A_205 = arith.constant 0 : i32
        %add3A_206 = arith.addi %add3A_190, %add3A_205 : i32
        %get3A_207 = arith.index_cast %add3A_206 : i32 to index
        %get3A_208 = arith.constant 16 : index
        %get3A_209 = tpu.vector_load %arg6[%get3A_207, %get3A_208] {strides = array<i32>} : memref<128x64xf32, #tpu.memory_space<vmem>>, vector<1x16xf32>,
        %get3A_210 = vector.shape_cast %get3A_209 : vector<1x16xf32> to vector<16xf32>
        %mul3A_211 = arith.constant 8.000000e+00 : f32
        %mul3A_212 = vector.broadcast %mul3A_211 : f32 to vector<16xf32>
        %mul3A_213 = arith.mulf %get3A_210, %mul3A_212 : vector<16xf32>
        %add3A_214 = arith.constant 0 : i32
        %add3A_215 = arith.addi %add3A_190, %add3A_214 : i32
        %swap3A_216 = arith.index_cast %add3A_215 : i32 to index
        %swap3A_217 = arith.constant 16 : index
        %swap3A_218 = tpu.vector_load %arg10[%swap3A_216, %swap3A_217] {strides = array<i32>} : memref<128x64xf32, #tpu.memory_space<vmem>>, vector<1x16xf32>,
        %swap3A_219 = vector.shape_cast %swap3A_218 : vector<1x16xf32> to vector<16xf32>
        %swap3A_220 = vector.shape_cast %mul3A_213 : vector<16xf32> to vector<1x16xf32>
        tpu.vector_store %arg10[%swap3A_216, %swap3A_217], %swap3A_220 {strides = array<i32>} : memref<128x64xf32, #tpu.memory_space<vmem>>, vector<1x16xf32>,
        %add3A_221 = arith.constant 0 : i32
        %add3A_222 = arith.addi %add3A_190, %add3A_221 : i32
        %get3A_223 = arith.index_cast %add3A_222 : i32 to index
        %get3A_224 = arith.constant 32 : index
        %get3A_225 = tpu.vector_load %arg6[%get3A_223, %get3A_224] {strides = array<i32>} : memref<128x64xf32, #tpu.memory_space<vmem>>, vector<1x16xf32>,
        %get3A_226 = vector.shape_cast %get3A_225 : vector<1x16xf32> to vector<16xf32>
        %mul3A_227 = arith.constant 8.000000e+00 : f32
        %mul3A_228 = vector.broadcast %mul3A_227 : f32 to vector<16xf32>
        %mul3A_229 = arith.mulf %get3A_226, %mul3A_228 : vector<16xf32>
        %add3A_230 = arith.constant 0 : i32
        %add3A_231 = arith.addi %add3A_190, %add3A_230 : i32
        %swap3A_232 = arith.index_cast %add3A_231 : i32 to index
        %swap3A_233 = arith.constant 32 : index
        %swap3A_234 = tpu.vector_load %arg10[%swap3A_232, %swap3A_233] {strides = array<i32>} : memref<128x64xf32, #tpu.memory_space<vmem>>, vector<1x16xf32>,
        %swap3A_235 = vector.shape_cast %swap3A_234 : vector<1x16xf32> to vector<16xf32>
        %swap3A_236 = vector.shape_cast %mul3A_229 : vector<16xf32> to vector<1x16xf32>
        tpu.vector_store %arg10[%swap3A_232, %swap3A_233], %swap3A_236 {strides = array<i32>} : memref<128x64xf32, #tpu.memory_space<vmem>>, vector<1x16xf32>,
        %add3A_237 = arith.constant 0 : i32
        %add3A_238 = arith.addi %add3A_190, %add3A_237 : i32
        %get3A_239 = arith.index_cast %add3A_238 : i32 to index
        %get3A_240 = arith.constant 48 : index
        %get3A_241 = tpu.vector_load %arg6[%get3A_239, %get3A_240] {strides = array<i32>} : memref<128x64xf32, #tpu.memory_space<vmem>>, vector<1x16xf32>,
        %get3A_242 = vector.shape_cast %get3A_241 : vector<1x16xf32> to vector<16xf32>
        %mul3A_243 = arith.constant 8.000000e+00 : f32
        %mul3A_244 = vector.broadcast %mul3A_243 : f32 to vector<16xf32>
        %mul3A_245 = arith.mulf %get3A_242, %mul3A_244 : vector<16xf32>
        %add3A_246 = arith.constant 0 : i32
        %add3A_247 = arith.addi %add3A_190, %add3A_246 : i32
        %swap3A_248 = arith.index_cast %add3A_247 : i32 to index
        %swap3A_249 = arith.constant 48 : index
        %swap3A_250 = tpu.vector_load %arg10[%swap3A_248, %swap3A_249] {strides = array<i32>} : memref<128x64xf32, #tpu.memory_space<vmem>>, vector<1x16xf32>,
        %swap3A_251 = vector.shape_cast %swap3A_250 : vector<1x16xf32> to vector<16xf32>
        %swap3A_252 = vector.shape_cast %mul3A_245 : vector<16xf32> to vector<1x16xf32>
        tpu.vector_store %arg10[%swap3A_248, %swap3A_249], %swap3A_252 {strides = array<i32>} : memref<128x64xf32, #tpu.memory_space<vmem>>, vector<1x16xf32>,
        %add3A_253 = arith.constant 1 : i32
        %add3A_254 = arith.addi %add3A_190, %add3A_253 : i32
        %get3A_255 = arith.index_cast %add3A_254 : i32 to index
        %get3A_256 = arith.constant 0 : index
        %get3A_257 = tpu.vector_load %arg6[%get3A_255, %get3A_256] {strides = array<i32>} : memref<128x64xf32, #tpu.memory_space<vmem>>, vector<1x16xf32>,
        %get3A_258 = vector.shape_cast %get3A_257 : vector<1x16xf32> to vector<16xf32>
        %mul3A_259 = arith.constant 8.000000e+00 : f32
        %mul3A_260 = vector.broadcast %mul3A_259 : f32 to vector<16xf32>
        %mul3A_261 = arith.mulf %get3A_258, %mul3A_260 : vector<16xf32>
        %add3A_262 = arith.constant 1 : i32
        %add3A_263 = arith.addi %add3A_190, %add3A_262 : i32
        %swap3A_264 = arith.index_cast %add3A_263 : i32 to index
        %swap3A_265 = arith.constant 0 : index
        %swap3A_266 = tpu.vector_load %arg10[%swap3A_264, %swap3A_265] {strides = array<i32>} : memref<128x64xf32, #tpu.memory_space<vmem>>, vector<1x16xf32>,
        %swap3A_267 = vector.shape_cast %swap3A_266 : vector<1x16xf32> to vector<16xf32>
        %swap3A_268 = vector.shape_cast %mul3A_261 : vector<16xf32> to vector<1x16xf32>
        tpu.vector_store %arg10[%swap3A_264, %swap3A_265], %swap3A_268 {strides = array<i32>} : memref<128x64xf32, #tpu.memory_space<vmem>>, vector<1x16xf32>,
        %add3A_269 = arith.constant 1 : i32
        %add3A_270 = arith.addi %add3A_190, %add3A_269 : i32
        %get3A_271 = arith.index_cast %add3A_270 : i32 to index
        %get3A_272 = arith.constant 16 : index
        %get3A_273 = tpu.vector_load %arg6[%get3A_271, %get3A_272] {strides = array<i32>} : memref<128x64xf32, #tpu.memory_space<vmem>>, vector<1x16xf32>,
        %get3A_274 = vector.shape_cast %get3A_273 : vector<1x16xf32> to vector<16xf32>
        %mul3A_275 = arith.constant 8.000000e+00 : f32
        %mul3A_276 = vector.broadcast %mul3A_275 : f32 to vector<16xf32>
        %mul3A_277 = arith.mulf %get3A_274, %mul3A_276 : vector<16xf32>
        %add3A_278 = arith.constant 1 : i32
        %add3A_279 = arith.addi %add3A_190, %add3A_278 : i32
        %swap3A_280 = arith.index_cast %add3A_279 : i32 to index
        %swap3A_281 = arith.constant 16 : index
        %swap3A_282 = tpu.vector_load %arg10[%swap3A_280, %swap3A_281] {strides = array<i32>} : memref<128x64xf32, #tpu.memory_space<vmem>>, vector<1x16xf32>,
        %swap3A_283 = vector.shape_cast %swap3A_282 : vector<1x16xf32> to vector<16xf32>
        %swap3A_284 = vector.shape_cast %mul3A_277 : vector<16xf32> to vector<1x16xf32>
        tpu.vector_store %arg10[%swap3A_280, %swap3A_281], %swap3A_284 {strides = array<i32>} : memref<128x64xf32, #tpu.memory_space<vmem>>, vector<1x16xf32>,
        %add3A_285 = arith.constant 1 : i32
        %add3A_286 = arith.addi %add3A_190, %add3A_285 : i32
        %get3A_287 = arith.index_cast %add3A_286 : i32 to index
        %get3A_288 = arith.constant 32 : index
        %get3A_289 = tpu.vector_load %arg6[%get3A_287, %get3A_288] {strides = array<i32>} : memref<128x64xf32, #tpu.memory_space<vmem>>, vector<1x16xf32>,
        %get3A_290 = vector.shape_cast %get3A_289 : vector<1x16xf32> to vector<16xf32>
        %mul3A_291 = arith.constant 8.000000e+00 : f32
        %mul3A_292 = vector.broadcast %mul3A_291 : f32 to vector<16xf32>
        %mul3A_293 = arith.mulf %get3A_290, %mul3A_292 : vector<16xf32>
        %add3A_294 = arith.constant 1 : i32
        %add3A_295 = arith.addi %add3A_190, %add3A_294 : i32
        %swap3A_296 = arith.index_cast %add3A_295 : i32 to index
        %swap3A_297 = arith.constant 32 : index
        %swap3A_298 = tpu.vector_load %arg10[%swap3A_296, %swap3A_297] {strides = array<i32>} : memref<128x64xf32, #tpu.memory_space<vmem>>, vector<1x16xf32>,
        %swap3A_299 = vector.shape_cast %swap3A_298 : vector<1x16xf32> to vector<16xf32>
        %swap3A_300 = vector.shape_cast %mul3A_293 : vector<16xf32> to vector<1x16xf32>
        tpu.vector_store %arg10[%swap3A_296, %swap3A_297], %swap3A_300 {strides = array<i32>} : memref<128x64xf32, #tpu.memory_space<vmem>>, vector<1x16xf32>,
        %add3A_301 = arith.constant 1 : i32
        %add3A_302 = arith.addi %add3A_190, %add3A_301 : i32
        %get3A_303 = arith.index_cast %add3A_302 : i32 to index
        %get3A_304 = arith.constant 48 : index
        %get3A_305 = tpu.vector_load %arg6[%get3A_303, %get3A_304] {strides = array<i32>} : memref<128x64xf32, #tpu.memory_space<vmem>>, vector<1x16xf32>,
        %get3A_306 = vector.shape_cast %get3A_305 : vector<1x16xf32> to vector<16xf32>
        %mul3A_307 = arith.constant 8.000000e+00 : f32
        %mul3A_308 = vector.broadcast %mul3A_307 : f32 to vector<16xf32>
        %mul3A_309 = arith.mulf %get3A_306, %mul3A_308 : vector<16xf32>
        %add3A_310 = arith.constant 1 : i32
        %add3A_311 = arith.addi %add3A_190, %add3A_310 : i32
        %swap3A_312 = arith.index_cast %add3A_311 : i32 to index
        %swap3A_313 = arith.constant 48 : index
        %swap3A_314 = tpu.vector_load %arg10[%swap3A_312, %swap3A_313] {strides = array<i32>} : memref<128x64xf32, #tpu.memory_space<vmem>>, vector<1x16xf32>,
        %swap3A_315 = vector.shape_cast %swap3A_314 : vector<1x16xf32> to vector<16xf32>
        %swap3A_316 = vector.shape_cast %mul3A_309 : vector<16xf32> to vector<1x16xf32>
        tpu.vector_store %arg10[%swap3A_312, %swap3A_313], %swap3A_316 {strides = array<i32>} : memref<128x64xf32, #tpu.memory_space<vmem>>, vector<1x16xf32>,
        %add3A_317 = arith.constant 2 : i32
        %add3A_318 = arith.addi %add3A_190, %add3A_317 : i32
        %get3A_319 = arith.index_cast %add3A_318 : i32 to index
        %get3A_320 = arith.constant 0 : index
        %get3A_321 = tpu.vector_load %arg6[%get3A_319, %get3A_320] {strides = array<i32>} : memref<128x64xf32, #tpu.memory_space<vmem>>, vector<1x16xf32>,
        %get3A_322 = vector.shape_cast %get3A_321 : vector<1x16xf32> to vector<16xf32>
        %mul3A_323 = arith.constant 8.000000e+00 : f32
        %mul3A_324 = vector.broadcast %mul3A_323 : f32 to vector<16xf32>
        %mul3A_325 = arith.mulf %get3A_322, %mul3A_324 : vector<16xf32>
        %add3A_326 = arith.constant 2 : i32
        %add3A_327 = arith.addi %add3A_190, %add3A_326 : i32
        %swap3A_328 = arith.index_cast %add3A_327 : i32 to index
        %swap3A_329 = arith.constant 0 : index
        %swap3A_330 = tpu.vector_load %arg10[%swap3A_328, %swap3A_329] {strides = array<i32>} : memref<128x64xf32, #tpu.memory_space<vmem>>, vector<1x16xf32>,
        %swap3A_331 = vector.shape_cast %swap3A_330 : vector<1x16xf32> to vector<16xf32>
        %swap3A_332 = vector.shape_cast %mul3A_325 : vector<16xf32> to vector<1x16xf32>
        tpu.vector_store %arg10[%swap3A_328, %swap3A_329], %swap3A_332 {strides = array<i32>} : memref<128x64xf32, #tpu.memory_space<vmem>>, vector<1x16xf32>,
        %add3A_333 = arith.constant 2 : i32
        %add3A_334 = arith.addi %add3A_190, %add3A_333 : i32
        %get3A_335 = arith.index_cast %add3A_334 : i32 to index
        %get3A_336 = arith.constant 16 : index
        %get3A_337 = tpu.vector_load %arg6[%get3A_335, %get3A_336] {strides = array<i32>} : memref<128x64xf32, #tpu.memory_space<vmem>>, vector<1x16xf32>,
        %get3A_338 = vector.shape_cast %get3A_337 : vector<1x16xf32> to vector<16xf32>
        %mul3A_339 = arith.constant 8.000000e+00 : f32
        %mul3A_340 = vector.broadcast %mul3A_339 : f32 to vector<16xf32>
        %mul3A_341 = arith.mulf %get3A_338, %mul3A_340 : vector<16xf32>
        %add3A_342 = arith.constant 2 : i32
        %add3A_343 = arith.addi %add3A_190, %add3A_342 : i32
        %swap3A_344 = arith.index_cast %add3A_343 : i32 to index
        %swap3A_345 = arith.constant 16 : index
        %swap3A_346 = tpu.vector_load %arg10[%swap3A_344, %swap3A_345] {strides = array<i32>} : memref<128x64xf32, #tpu.memory_space<vmem>>, vector<1x16xf32>,
        %swap3A_347 = vector.shape_cast %swap3A_346 : vector<1x16xf32> to vector<16xf32>
        %swap3A_348 = vector.shape_cast %mul3A_341 : vector<16xf32> to vector<1x16xf32>
        tpu.vector_store %arg10[%swap3A_344, %swap3A_345], %swap3A_348 {strides = array<i32>} : memref<128x64xf32, #tpu.memory_space<vmem>>, vector<1x16xf32>,
        %add3A_349 = arith.constant 2 : i32
        %add3A_350 = arith.addi %add3A_190, %add3A_349 : i32
        %get3A_351 = arith.index_cast %add3A_350 : i32 to index
        %get3A_352 = arith.constant 32 : index
        %get3A_353 = tpu.vector_load %arg6[%get3A_351, %get3A_352] {strides = array<i32>} : memref<128x64xf32, #tpu.memory_space<vmem>>, vector<1x16xf32>,
        %get3A_354 = vector.shape_cast %get3A_353 : vector<1x16xf32> to vector<16xf32>
        %mul3A_355 = arith.constant 8.000000e+00 : f32
        %mul3A_356 = vector.broadcast %mul3A_355 : f32 to vector<16xf32>
        %mul3A_357 = arith.mulf %get3A_354, %mul3A_356 : vector<16xf32>
        %add3A_358 = arith.constant 2 : i32
        %add3A_359 = arith.addi %add3A_190, %add3A_358 : i32
        %swap3A_360 = arith.index_cast %add3A_359 : i32 to index
        %swap3A_361 = arith.constant 32 : index
        %swap3A_362 = tpu.vector_load %arg10[%swap3A_360, %swap3A_361] {strides = array<i32>} : memref<128x64xf32, #tpu.memory_space<vmem>>, vector<1x16xf32>,
        %swap3A_363 = vector.shape_cast %swap3A_362 : vector<1x16xf32> to vector<16xf32>
        %swap3A_364 = vector.shape_cast %mul3A_357 : vector<16xf32> to vector<1x16xf32>
        tpu.vector_store %arg10[%swap3A_360, %swap3A_361], %swap3A_364 {strides = array<i32>} : memref<128x64xf32, #tpu.memory_space<vmem>>, vector<1x16xf32>,
        %add3A_365 = arith.constant 2 : i32
        %add3A_366 = arith.addi %add3A_190, %add3A_365 : i32
        %get3A_367 = arith.index_cast %add3A_366 : i32 to index
        %get3A_368 = arith.constant 48 : index
        %get3A_369 = tpu.vector_load %arg6[%get3A_367, %get3A_368] {strides = array<i32>} : memref<128x64xf32, #tpu.memory_space<vmem>>, vector<1x16xf32>,
        %get3A_370 = vector.shape_cast %get3A_369 : vector<1x16xf32> to vector<16xf32>
        %mul3A_371 = arith.constant 8.000000e+00 : f32
        %mul3A_372 = vector.broadcast %mul3A_371 : f32 to vector<16xf32>
        %mul3A_373 = arith.mulf %get3A_370, %mul3A_372 : vector<16xf32>
        %add3A_374 = arith.constant 2 : i32
        %add3A_375 = arith.addi %add3A_190, %add3A_374 : i32
        %swap3A_376 = arith.index_cast %add3A_375 : i32 to index
        %swap3A_377 = arith.constant 48 : index
        %swap3A_378 = tpu.vector_load %arg10[%swap3A_376, %swap3A_377] {strides = array<i32>} : memref<128x64xf32, #tpu.memory_space<vmem>>, vector<1x16xf32>,
        %swap3A_379 = vector.shape_cast %swap3A_378 : vector<1x16xf32> to vector<16xf32>
        %swap3A_380 = vector.shape_cast %mul3A_373 : vector<16xf32> to vector<1x16xf32>
        tpu.vector_store %arg10[%swap3A_376, %swap3A_377], %swap3A_380 {strides = array<i32>} : memref<128x64xf32, #tpu.memory_space<vmem>>, vector<1x16xf32>,
        %add3A_381 = arith.constant 3 : i32
        %add3A_382 = arith.addi %add3A_190, %add3A_381 : i32
        %get3A_383 = arith.index_cast %add3A_382 : i32 to index
        %get3A_384 = arith.constant 0 : index
        %get3A_385 = tpu.vector_load %arg6[%get3A_383, %get3A_384] {strides = array<i32>} : memref<128x64xf32, #tpu.memory_space<vmem>>, vector<1x16xf32>,
        %get3A_386 = vector.shape_cast %get3A_385 : vector<1x16xf32> to vector<16xf32>
        %mul3A_387 = arith.constant 8.000000e+00 : f32
        %mul3A_388 = vector.broadcast %mul3A_387 : f32 to vector<16xf32>
        %mul3A_389 = arith.mulf %get3A_386, %mul3A_388 : vector<16xf32>
        %add3A_390 = arith.constant 3 : i32
        %add3A_391 = arith.addi %add3A_190, %add3A_390 : i32
        %swap3A_392 = arith.index_cast %add3A_391 : i32 to index
        %swap3A_393 = arith.constant 0 : index
        %swap3A_394 = tpu.vector_load %arg10[%swap3A_392, %swap3A_393] {strides = array<i32>} : memref<128x64xf32, #tpu.memory_space<vmem>>, vector<1x16xf32>,
        %swap3A_395 = vector.shape_cast %swap3A_394 : vector<1x16xf32> to vector<16xf32>
        %swap3A_396 = vector.shape_cast %mul3A_389 : vector<16xf32> to vector<1x16xf32>
        tpu.vector_store %arg10[%swap3A_392, %swap3A_393], %swap3A_396 {strides = array<i32>} : memref<128x64xf32, #tpu.memory_space<vmem>>, vector<1x16xf32>,
        %add3A_397 = arith.constant 3 : i32
        %add3A_398 = arith.addi %add3A_190, %add3A_397 : i32
        %get3A_399 = arith.index_cast %add3A_398 : i32 to index
        %get3A_400 = arith.constant 16 : index
        %get3A_401 = tpu.vector_load %arg6[%get3A_399, %get3A_400] {strides = array<i32>} : memref<128x64xf32, #tpu.memory_space<vmem>>, vector<1x16xf32>,
        %get3A_402 = vector.shape_cast %get3A_401 : vector<1x16xf32> to vector<16xf32>
        %mul3A_403 = arith.constant 8.000000e+00 : f32
        %mul3A_404 = vector.broadcast %mul3A_403 : f32 to vector<16xf32>
        %mul3A_405 = arith.mulf %get3A_402, %mul3A_404 : vector<16xf32>
        %add3A_406 = arith.constant 3 : i32
        %add3A_407 = arith.addi %add3A_190, %add3A_406 : i32
        %swap3A_408 = arith.index_cast %add3A_407 : i32 to index
        %swap3A_409 = arith.constant 16 : index
        %swap3A_410 = tpu.vector_load %arg10[%swap3A_408, %swap3A_409] {strides = array<i32>} : memref<128x64xf32, #tpu.memory_space<vmem>>, vector<1x16xf32>,
        %swap3A_411 = vector.shape_cast %swap3A_410 : vector<1x16xf32> to vector<16xf32>
        %swap3A_412 = vector.shape_cast %mul3A_405 : vector<16xf32> to vector<1x16xf32>
        tpu.vector_store %arg10[%swap3A_408, %swap3A_409], %swap3A_412 {strides = array<i32>} : memref<128x64xf32, #tpu.memory_space<vmem>>, vector<1x16xf32>,
        %add3A_413 = arith.constant 3 : i32
        %add3A_414 = arith.addi %add3A_190, %add3A_413 : i32
        %get3A_415 = arith.index_cast %add3A_414 : i32 to index
        %get3A_416 = arith.constant 32 : index
        %get3A_417 = tpu.vector_load %arg6[%get3A_415, %get3A_416] {strides = array<i32>} : memref<128x64xf32, #tpu.memory_space<vmem>>, vector<1x16xf32>,
        %get3A_418 = vector.shape_cast %get3A_417 : vector<1x16xf32> to vector<16xf32>
        %mul3A_419 = arith.constant 8.000000e+00 : f32
        %mul3A_420 = vector.broadcast %mul3A_419 : f32 to vector<16xf32>
        %mul3A_421 = arith.mulf %get3A_418, %mul3A_420 : vector<16xf32>
        %add3A_422 = arith.constant 3 : i32
        %add3A_423 = arith.addi %add3A_190, %add3A_422 : i32
        %swap3A_424 = arith.index_cast %add3A_423 : i32 to index
        %swap3A_425 = arith.constant 32 : index
        %swap3A_426 = tpu.vector_load %arg10[%swap3A_424, %swap3A_425] {strides = array<i32>} : memref<128x64xf32, #tpu.memory_space<vmem>>, vector<1x16xf32>,
        %swap3A_427 = vector.shape_cast %swap3A_426 : vector<1x16xf32> to vector<16xf32>
        %swap3A_428 = vector.shape_cast %mul3A_421 : vector<16xf32> to vector<1x16xf32>
        tpu.vector_store %arg10[%swap3A_424, %swap3A_425], %swap3A_428 {strides = array<i32>} : memref<128x64xf32, #tpu.memory_space<vmem>>, vector<1x16xf32>,
        %add3A_429 = arith.constant 3 : i32
        %add3A_430 = arith.addi %add3A_190, %add3A_429 : i32
        %get3A_431 = arith.index_cast %add3A_430 : i32 to index
        %get3A_432 = arith.constant 48 : index
        %get3A_433 = tpu.vector_load %arg6[%get3A_431, %get3A_432] {strides = array<i32>} : memref<128x64xf32, #tpu.memory_space<vmem>>, vector<1x16xf32>,
        %get3A_434 = vector.shape_cast %get3A_433 : vector<1x16xf32> to vector<16xf32>
        %mul3A_435 = arith.constant 8.000000e+00 : f32
        %mul3A_436 = vector.broadcast %mul3A_435 : f32 to vector<16xf32>
        %mul3A_437 = arith.mulf %get3A_434, %mul3A_436 : vector<16xf32>
        %add3A_438 = arith.constant 3 : i32
        %add3A_439 = arith.addi %add3A_190, %add3A_438 : i32
        %swap3A_440 = arith.index_cast %add3A_439 : i32 to index
        %swap3A_441 = arith.constant 48 : index
        %swap3A_442 = tpu.vector_load %arg10[%swap3A_440, %swap3A_441] {strides = array<i32>} : memref<128x64xf32, #tpu.memory_space<vmem>>, vector<1x16xf32>,
        %swap3A_443 = vector.shape_cast %swap3A_442 : vector<1x16xf32> to vector<16xf32>
        %swap3A_444 = vector.shape_cast %mul3A_437 : vector<16xf32> to vector<1x16xf32>
        tpu.vector_store %arg10[%swap3A_440, %swap3A_441], %swap3A_444 {strides = array<i32>} : memref<128x64xf32, #tpu.memory_space<vmem>>, vector<1x16xf32>,
      }
      %scan3A_76 = arith.constant 32 : i32
      %add3A_77 = arith.constant 4 : i32
      %add3A_78 = arith.addi %add3A_63, %add3A_77 : i32
      %lt3A = arith.constant 200 : i32
      %lt3A_79 = arith.cmpi slt, %add3A_78, %lt3A : i32
      %convert_element_type3A_80 = arith.extui %lt3A_79 : i1 to i32
      %cond3A_81 = arith.constant 0 : i32
      %cond3A_82 = arith.cmpi ne, %convert_element_type3A_80, %cond3A_81 : i32
      scf.if %cond3A_82 {
        %add3A_186 = arith.constant 4 : i32
        %add3A_187 = arith.addi %add3A_63, %add3A_186 : i32
        %dma_start3A_188 = arith.constant 0 : i32
        %dma_start3A_189 = tpu.memref_slice %arg5[%add3A_187, %dma_start3A_188] : memref<200x128xi32, #tpu.memory_space<vmem>> -> memref<1x128xi32, #tpu.memory_space<vmem>>
        %dma_start3A_190 = tpu.memref_squeeze %dma_start3A_189 : memref<1x128xi32, #tpu.memory_space<vmem>> -> memref<128xi32, #tpu.memory_space<vmem>>
        %dma_start3A_191 = arith.constant 0 : i32
        %dma_start3A_192 = arith.constant 0 : i32
        %dma_start3A_193 = tpu.memref_slice %arg3[%dma_start3A_191, %dma_start3A_192] : memref<1000000x64xf32, #tpu.memory_space<hbm>> -> memref<1000000x64xf32, #tpu.memory_space<hbm>>
        tpu.enqueue_indirect_dma source(%dma_start3A_193 : memref<1000000x64xf32, #tpu.memory_space<hbm>>) target(%arg6 : memref<128x64xf32, #tpu.memory_space<vmem>>) offsets(%dma_start3A_190 : memref<128xi32, #tpu.memory_space<vmem>>) semaphore(%arg14 : memref<!tpu.dma_semaphore, #tpu.memory_space<semaphore_mem>>)
      } else {
      }
      %mul3A_83 = arith.constant 128 : i32
      %mul3A_84 = arith.muli %add3A_63, %mul3A_83 : i32
      %add3A_85 = arith.addi %mul3A_29, %mul3A_84 : i32
      %dma_start3A_86 = arith.constant 0 : i32
      %dma_start3A_87 = tpu.memref_slice %arg4[%add3A_85, %dma_start3A_86] : memref<819200x64xf32, #tpu.memory_space<hbm>> -> memref<128x64xf32, #tpu.memory_space<hbm>>
      %dma_start3A_88 = arith.constant 0 : i32
      %dma_start3A_89 = tpu.memref_slice %arg4[%add3A_85, %dma_start3A_88] : memref<819200x64xf32, #tpu.memory_space<hbm>> -> memref<128x64xf32, #tpu.memory_space<hbm>>
      tpu.enqueue_dma source(%arg10 : memref<128x64xf32, #tpu.memory_space<vmem>>) target(%dma_start3A_89 : memref<128x64xf32, #tpu.memory_space<hbm>>) target_semaphore(%arg18 : memref<!tpu.dma_semaphore, #tpu.memory_space<semaphore_mem>>)
      %add3A_90 = arith.constant 1 : i32
      %add3A_91 = arith.addi %add3A_61, %add3A_90 : i32
      %dma_wait3A_92 = arith.constant 0 : i32
      %dma_wait3A_93 = tpu.memref_slice %arg5[%add3A_91, %dma_wait3A_92] : memref<200x128xi32, #tpu.memory_space<vmem>> -> memref<1x128xi32, #tpu.memory_space<vmem>>
      %dma_wait3A_94 = tpu.memref_squeeze %dma_wait3A_93 : memref<1x128xi32, #tpu.memory_space<vmem>> -> memref<128xi32, #tpu.memory_space<vmem>>
      %dma_wait3A_95 = arith.constant 0 : i32
      %dma_wait3A_96 = arith.constant 0 : i32
      %dma_wait3A_97 = tpu.memref_slice %arg3[%dma_wait3A_95, %dma_wait3A_96] : memref<1000000x64xf32, #tpu.memory_space<hbm>> -> memref<1000000x64xf32, #tpu.memory_space<hbm>>
      tpu.wait_indirect_dma semaphore(%arg15 : memref<!tpu.dma_semaphore, #tpu.memory_space<semaphore_mem>>) src(%dma_wait3A_97 : memref<1000000x64xf32, #tpu.memory_space<hbm>>) dst(%arg7 : memref<128x64xf32, #tpu.memory_space<vmem>>)
      %ge3A_98 = arith.constant 4 : i32
      %ge3A_99 = arith.cmpi sge, %add3A_91, %ge3A_98 : i32
      %convert_element_type3A_100 = arith.extui %ge3A_99 : i1 to i32
      %cond3A_101 = arith.constant 0 : i32
      %cond3A_102 = arith.cmpi ne, %convert_element_type3A_100, %cond3A_101 : i32
      scf.if %cond3A_102 {
        %sub3A = arith.constant 4 : i32
        %sub3A_186 = arith.subi %add3A_91, %sub3A : i32
        %mul3A_187 = arith.constant 128 : i32
        %mul3A_188 = arith.muli %sub3A_186, %mul3A_187 : i32
        %add3A_189 = arith.addi %mul3A_29, %mul3A_188 : i32
        %dma_wait3A_190 = arith.constant 0 : i32
        %dma_wait3A_191 = tpu.memref_slice %arg4[%add3A_189, %dma_wait3A_190] : memref<819200x64xf32, #tpu.memory_space<hbm>> -> memref<128x64xf32, #tpu.memory_space<hbm>>
        %dma_wait3A_192 = arith.constant 0 : i32
        %dma_wait3A_193 = tpu.memref_slice %arg4[%add3A_189, %dma_wait3A_192] : memref<819200x64xf32, #tpu.memory_space<hbm>> -> memref<128x64xf32, #tpu.memory_space<hbm>>
        tpu.wait_dma2 semaphore(%arg19 : memref<!tpu.dma_semaphore, #tpu.memory_space<semaphore_mem>>) src(%arg11 : memref<128x64xf32, #tpu.memory_space<vmem>>) dst(%dma_wait3A_193 : memref<128x64xf32, #tpu.memory_space<hbm>>)
      } else {
      }
      %scan3A_103 = arith.constant 0 : i32
      %scan3A_104 = arith.constant 32 : i32
      %scan3A_105 = arith.addi %scan3A_103, %scan3A_104 : i32
      %scan3A_106 = arith.constant 1 : i32
      scf.for %scan3A_186 = %scan3A_103 to %scan3A_105 step %scan3A_106  : i32 {
        %mul3A_187 = arith.constant 4 : i32
        %mul3A_188 = arith.muli %scan3A_186, %mul3A_187 : i32
        %add3A_189 = arith.constant 0 : i32
        %add3A_190 = arith.addi %add3A_189, %mul3A_188 : i32
        %add3A_191 = arith.constant 0 : i32
        %add3A_192 = arith.addi %add3A_190, %add3A_191 : i32
        %get3A = arith.index_cast %add3A_192 : i32 to index
        %get3A_193 = arith.constant 0 : index
        %get3A_194 = tpu.vector_load %arg7[%get3A, %get3A_193] {strides = array<i32>} : memref<128x64xf32, #tpu.memory_space<vmem>>, vector<1x16xf32>,
        %get3A_195 = vector.shape_cast %get3A_194 : vector<1x16xf32> to vector<16xf32>
        %mul3A_196 = arith.constant 8.000000e+00 : f32
        %mul3A_197 = vector.broadcast %mul3A_196 : f32 to vector<16xf32>
        %mul3A_198 = arith.mulf %get3A_195, %mul3A_197 : vector<16xf32>
        %add3A_199 = arith.constant 0 : i32
        %add3A_200 = arith.addi %add3A_190, %add3A_199 : i32
        %swap3A = arith.index_cast %add3A_200 : i32 to index
        %swap3A_201 = arith.constant 0 : index
        %swap3A_202 = tpu.vector_load %arg11[%swap3A, %swap3A_201] {strides = array<i32>} : memref<128x64xf32, #tpu.memory_space<vmem>>, vector<1x16xf32>,
        %swap3A_203 = vector.shape_cast %swap3A_202 : vector<1x16xf32> to vector<16xf32>
        %swap3A_204 = vector.shape_cast %mul3A_198 : vector<16xf32> to vector<1x16xf32>
        tpu.vector_store %arg11[%swap3A, %swap3A_201], %swap3A_204 {strides = array<i32>} : memref<128x64xf32, #tpu.memory_space<vmem>>, vector<1x16xf32>,
        %add3A_205 = arith.constant 0 : i32
        %add3A_206 = arith.addi %add3A_190, %add3A_205 : i32
        %get3A_207 = arith.index_cast %add3A_206 : i32 to index
        %get3A_208 = arith.constant 16 : index
        %get3A_209 = tpu.vector_load %arg7[%get3A_207, %get3A_208] {strides = array<i32>} : memref<128x64xf32, #tpu.memory_space<vmem>>, vector<1x16xf32>,
        %get3A_210 = vector.shape_cast %get3A_209 : vector<1x16xf32> to vector<16xf32>
        %mul3A_211 = arith.constant 8.000000e+00 : f32
        %mul3A_212 = vector.broadcast %mul3A_211 : f32 to vector<16xf32>
        %mul3A_213 = arith.mulf %get3A_210, %mul3A_212 : vector<16xf32>
        %add3A_214 = arith.constant 0 : i32
        %add3A_215 = arith.addi %add3A_190, %add3A_214 : i32
        %swap3A_216 = arith.index_cast %add3A_215 : i32 to index
        %swap3A_217 = arith.constant 16 : index
        %swap3A_218 = tpu.vector_load %arg11[%swap3A_216, %swap3A_217] {strides = array<i32>} : memref<128x64xf32, #tpu.memory_space<vmem>>, vector<1x16xf32>,
        %swap3A_219 = vector.shape_cast %swap3A_218 : vector<1x16xf32> to vector<16xf32>
        %swap3A_220 = vector.shape_cast %mul3A_213 : vector<16xf32> to vector<1x16xf32>
        tpu.vector_store %arg11[%swap3A_216, %swap3A_217], %swap3A_220 {strides = array<i32>} : memref<128x64xf32, #tpu.memory_space<vmem>>, vector<1x16xf32>,
        %add3A_221 = arith.constant 0 : i32
        %add3A_222 = arith.addi %add3A_190, %add3A_221 : i32
        %get3A_223 = arith.index_cast %add3A_222 : i32 to index
        %get3A_224 = arith.constant 32 : index
        %get3A_225 = tpu.vector_load %arg7[%get3A_223, %get3A_224] {strides = array<i32>} : memref<128x64xf32, #tpu.memory_space<vmem>>, vector<1x16xf32>,
        %get3A_226 = vector.shape_cast %get3A_225 : vector<1x16xf32> to vector<16xf32>
        %mul3A_227 = arith.constant 8.000000e+00 : f32
        %mul3A_228 = vector.broadcast %mul3A_227 : f32 to vector<16xf32>
        %mul3A_229 = arith.mulf %get3A_226, %mul3A_228 : vector<16xf32>
        %add3A_230 = arith.constant 0 : i32
        %add3A_231 = arith.addi %add3A_190, %add3A_230 : i32
        %swap3A_232 = arith.index_cast %add3A_231 : i32 to index
        %swap3A_233 = arith.constant 32 : index
        %swap3A_234 = tpu.vector_load %arg11[%swap3A_232, %swap3A_233] {strides = array<i32>} : memref<128x64xf32, #tpu.memory_space<vmem>>, vector<1x16xf32>,
        %swap3A_235 = vector.shape_cast %swap3A_234 : vector<1x16xf32> to vector<16xf32>
        %swap3A_236 = vector.shape_cast %mul3A_229 : vector<16xf32> to vector<1x16xf32>
        tpu.vector_store %arg11[%swap3A_232, %swap3A_233], %swap3A_236 {strides = array<i32>} : memref<128x64xf32, #tpu.memory_space<vmem>>, vector<1x16xf32>,
        %add3A_237 = arith.constant 0 : i32
        %add3A_238 = arith.addi %add3A_190, %add3A_237 : i32
        %get3A_239 = arith.index_cast %add3A_238 : i32 to index
        %get3A_240 = arith.constant 48 : index
        %get3A_241 = tpu.vector_load %arg7[%get3A_239, %get3A_240] {strides = array<i32>} : memref<128x64xf32, #tpu.memory_space<vmem>>, vector<1x16xf32>,
        %get3A_242 = vector.shape_cast %get3A_241 : vector<1x16xf32> to vector<16xf32>
        %mul3A_243 = arith.constant 8.000000e+00 : f32
        %mul3A_244 = vector.broadcast %mul3A_243 : f32 to vector<16xf32>
        %mul3A_245 = arith.mulf %get3A_242, %mul3A_244 : vector<16xf32>
        %add3A_246 = arith.constant 0 : i32
        %add3A_247 = arith.addi %add3A_190, %add3A_246 : i32
        %swap3A_248 = arith.index_cast %add3A_247 : i32 to index
        %swap3A_249 = arith.constant 48 : index
        %swap3A_250 = tpu.vector_load %arg11[%swap3A_248, %swap3A_249] {strides = array<i32>} : memref<128x64xf32, #tpu.memory_space<vmem>>, vector<1x16xf32>,
        %swap3A_251 = vector.shape_cast %swap3A_250 : vector<1x16xf32> to vector<16xf32>
        %swap3A_252 = vector.shape_cast %mul3A_245 : vector<16xf32> to vector<1x16xf32>
        tpu.vector_store %arg11[%swap3A_248, %swap3A_249], %swap3A_252 {strides = array<i32>} : memref<128x64xf32, #tpu.memory_space<vmem>>, vector<1x16xf32>,
        %add3A_253 = arith.constant 1 : i32
        %add3A_254 = arith.addi %add3A_190, %add3A_253 : i32
        %get3A_255 = arith.index_cast %add3A_254 : i32 to index
        %get3A_256 = arith.constant 0 : index
        %get3A_257 = tpu.vector_load %arg7[%get3A_255, %get3A_256] {strides = array<i32>} : memref<128x64xf32, #tpu.memory_space<vmem>>, vector<1x16xf32>,
        %get3A_258 = vector.shape_cast %get3A_257 : vector<1x16xf32> to vector<16xf32>
        %mul3A_259 = arith.constant 8.000000e+00 : f32
        %mul3A_260 = vector.broadcast %mul3A_259 : f32 to vector<16xf32>
        %mul3A_261 = arith.mulf %get3A_258, %mul3A_260 : vector<16xf32>
        %add3A_262 = arith.constant 1 : i32
        %add3A_263 = arith.addi %add3A_190, %add3A_262 : i32
        %swap3A_264 = arith.index_cast %add3A_263 : i32 to index
        %swap3A_265 = arith.constant 0 : index
        %swap3A_266 = tpu.vector_load %arg11[%swap3A_264, %swap3A_265] {strides = array<i32>} : memref<128x64xf32, #tpu.memory_space<vmem>>, vector<1x16xf32>,
        %swap3A_267 = vector.shape_cast %swap3A_266 : vector<1x16xf32> to vector<16xf32>
        %swap3A_268 = vector.shape_cast %mul3A_261 : vector<16xf32> to vector<1x16xf32>
        tpu.vector_store %arg11[%swap3A_264, %swap3A_265], %swap3A_268 {strides = array<i32>} : memref<128x64xf32, #tpu.memory_space<vmem>>, vector<1x16xf32>,
        %add3A_269 = arith.constant 1 : i32
        %add3A_270 = arith.addi %add3A_190, %add3A_269 : i32
        %get3A_271 = arith.index_cast %add3A_270 : i32 to index
        %get3A_272 = arith.constant 16 : index
        %get3A_273 = tpu.vector_load %arg7[%get3A_271, %get3A_272] {strides = array<i32>} : memref<128x64xf32, #tpu.memory_space<vmem>>, vector<1x16xf32>,
        %get3A_274 = vector.shape_cast %get3A_273 : vector<1x16xf32> to vector<16xf32>
        %mul3A_275 = arith.constant 8.000000e+00 : f32
        %mul3A_276 = vector.broadcast %mul3A_275 : f32 to vector<16xf32>
        %mul3A_277 = arith.mulf %get3A_274, %mul3A_276 : vector<16xf32>
        %add3A_278 = arith.constant 1 : i32
        %add3A_279 = arith.addi %add3A_190, %add3A_278 : i32
        %swap3A_280 = arith.index_cast %add3A_279 : i32 to index
        %swap3A_281 = arith.constant 16 : index
        %swap3A_282 = tpu.vector_load %arg11[%swap3A_280, %swap3A_281] {strides = array<i32>} : memref<128x64xf32, #tpu.memory_space<vmem>>, vector<1x16xf32>,
        %swap3A_283 = vector.shape_cast %swap3A_282 : vector<1x16xf32> to vector<16xf32>
        %swap3A_284 = vector.shape_cast %mul3A_277 : vector<16xf32> to vector<1x16xf32>
        tpu.vector_store %arg11[%swap3A_280, %swap3A_281], %swap3A_284 {strides = array<i32>} : memref<128x64xf32, #tpu.memory_space<vmem>>, vector<1x16xf32>,
        %add3A_285 = arith.constant 1 : i32
        %add3A_286 = arith.addi %add3A_190, %add3A_285 : i32
        %get3A_287 = arith.index_cast %add3A_286 : i32 to index
        %get3A_288 = arith.constant 32 : index
        %get3A_289 = tpu.vector_load %arg7[%get3A_287, %get3A_288] {strides = array<i32>} : memref<128x64xf32, #tpu.memory_space<vmem>>, vector<1x16xf32>,
        %get3A_290 = vector.shape_cast %get3A_289 : vector<1x16xf32> to vector<16xf32>
        %mul3A_291 = arith.constant 8.000000e+00 : f32
        %mul3A_292 = vector.broadcast %mul3A_291 : f32 to vector<16xf32>
        %mul3A_293 = arith.mulf %get3A_290, %mul3A_292 : vector<16xf32>
        %add3A_294 = arith.constant 1 : i32
        %add3A_295 = arith.addi %add3A_190, %add3A_294 : i32
        %swap3A_296 = arith.index_cast %add3A_295 : i32 to index
        %swap3A_297 = arith.constant 32 : index
        %swap3A_298 = tpu.vector_load %arg11[%swap3A_296, %swap3A_297] {strides = array<i32>} : memref<128x64xf32, #tpu.memory_space<vmem>>, vector<1x16xf32>,
        %swap3A_299 = vector.shape_cast %swap3A_298 : vector<1x16xf32> to vector<16xf32>
        %swap3A_300 = vector.shape_cast %mul3A_293 : vector<16xf32> to vector<1x16xf32>
        tpu.vector_store %arg11[%swap3A_296, %swap3A_297], %swap3A_300 {strides = array<i32>} : memref<128x64xf32, #tpu.memory_space<vmem>>, vector<1x16xf32>,
        %add3A_301 = arith.constant 1 : i32
        %add3A_302 = arith.addi %add3A_190, %add3A_301 : i32
        %get3A_303 = arith.index_cast %add3A_302 : i32 to index
        %get3A_304 = arith.constant 48 : index
        %get3A_305 = tpu.vector_load %arg7[%get3A_303, %get3A_304] {strides = array<i32>} : memref<128x64xf32, #tpu.memory_space<vmem>>, vector<1x16xf32>,
        %get3A_306 = vector.shape_cast %get3A_305 : vector<1x16xf32> to vector<16xf32>
        %mul3A_307 = arith.constant 8.000000e+00 : f32
        %mul3A_308 = vector.broadcast %mul3A_307 : f32 to vector<16xf32>
        %mul3A_309 = arith.mulf %get3A_306, %mul3A_308 : vector<16xf32>
        %add3A_310 = arith.constant 1 : i32
        %add3A_311 = arith.addi %add3A_190, %add3A_310 : i32
        %swap3A_312 = arith.index_cast %add3A_311 : i32 to index
        %swap3A_313 = arith.constant 48 : index
        %swap3A_314 = tpu.vector_load %arg11[%swap3A_312, %swap3A_313] {strides = array<i32>} : memref<128x64xf32, #tpu.memory_space<vmem>>, vector<1x16xf32>,
        %swap3A_315 = vector.shape_cast %swap3A_314 : vector<1x16xf32> to vector<16xf32>
        %swap3A_316 = vector.shape_cast %mul3A_309 : vector<16xf32> to vector<1x16xf32>
        tpu.vector_store %arg11[%swap3A_312, %swap3A_313], %swap3A_316 {strides = array<i32>} : memref<128x64xf32, #tpu.memory_space<vmem>>, vector<1x16xf32>,
        %add3A_317 = arith.constant 2 : i32
        %add3A_318 = arith.addi %add3A_190, %add3A_317 : i32
        %get3A_319 = arith.index_cast %add3A_318 : i32 to index
        %get3A_320 = arith.constant 0 : index
        %get3A_321 = tpu.vector_load %arg7[%get3A_319, %get3A_320] {strides = array<i32>} : memref<128x64xf32, #tpu.memory_space<vmem>>, vector<1x16xf32>,
        %get3A_322 = vector.shape_cast %get3A_321 : vector<1x16xf32> to vector<16xf32>
        %mul3A_323 = arith.constant 8.000000e+00 : f32
        %mul3A_324 = vector.broadcast %mul3A_323 : f32 to vector<16xf32>
        %mul3A_325 = arith.mulf %get3A_322, %mul3A_324 : vector<16xf32>
        %add3A_326 = arith.constant 2 : i32
        %add3A_327 = arith.addi %add3A_190, %add3A_326 : i32
        %swap3A_328 = arith.index_cast %add3A_327 : i32 to index
        %swap3A_329 = arith.constant 0 : index
        %swap3A_330 = tpu.vector_load %arg11[%swap3A_328, %swap3A_329] {strides = array<i32>} : memref<128x64xf32, #tpu.memory_space<vmem>>, vector<1x16xf32>,
        %swap3A_331 = vector.shape_cast %swap3A_330 : vector<1x16xf32> to vector<16xf32>
        %swap3A_332 = vector.shape_cast %mul3A_325 : vector<16xf32> to vector<1x16xf32>
        tpu.vector_store %arg11[%swap3A_328, %swap3A_329], %swap3A_332 {strides = array<i32>} : memref<128x64xf32, #tpu.memory_space<vmem>>, vector<1x16xf32>,
        %add3A_333 = arith.constant 2 : i32
        %add3A_334 = arith.addi %add3A_190, %add3A_333 : i32
        %get3A_335 = arith.index_cast %add3A_334 : i32 to index
        %get3A_336 = arith.constant 16 : index
        %get3A_337 = tpu.vector_load %arg7[%get3A_335, %get3A_336] {strides = array<i32>} : memref<128x64xf32, #tpu.memory_space<vmem>>, vector<1x16xf32>,
        %get3A_338 = vector.shape_cast %get3A_337 : vector<1x16xf32> to vector<16xf32>
        %mul3A_339 = arith.constant 8.000000e+00 : f32
        %mul3A_340 = vector.broadcast %mul3A_339 : f32 to vector<16xf32>
        %mul3A_341 = arith.mulf %get3A_338, %mul3A_340 : vector<16xf32>
        %add3A_342 = arith.constant 2 : i32
        %add3A_343 = arith.addi %add3A_190, %add3A_342 : i32
        %swap3A_344 = arith.index_cast %add3A_343 : i32 to index
        %swap3A_345 = arith.constant 16 : index
        %swap3A_346 = tpu.vector_load %arg11[%swap3A_344, %swap3A_345] {strides = array<i32>} : memref<128x64xf32, #tpu.memory_space<vmem>>, vector<1x16xf32>,
        %swap3A_347 = vector.shape_cast %swap3A_346 : vector<1x16xf32> to vector<16xf32>
        %swap3A_348 = vector.shape_cast %mul3A_341 : vector<16xf32> to vector<1x16xf32>
        tpu.vector_store %arg11[%swap3A_344, %swap3A_345], %swap3A_348 {strides = array<i32>} : memref<128x64xf32, #tpu.memory_space<vmem>>, vector<1x16xf32>,
        %add3A_349 = arith.constant 2 : i32
        %add3A_350 = arith.addi %add3A_190, %add3A_349 : i32
        %get3A_351 = arith.index_cast %add3A_350 : i32 to index
        %get3A_352 = arith.constant 32 : index
        %get3A_353 = tpu.vector_load %arg7[%get3A_351, %get3A_352] {strides = array<i32>} : memref<128x64xf32, #tpu.memory_space<vmem>>, vector<1x16xf32>,
        %get3A_354 = vector.shape_cast %get3A_353 : vector<1x16xf32> to vector<16xf32>
        %mul3A_355 = arith.constant 8.000000e+00 : f32
        %mul3A_356 = vector.broadcast %mul3A_355 : f32 to vector<16xf32>
        %mul3A_357 = arith.mulf %get3A_354, %mul3A_356 : vector<16xf32>
        %add3A_358 = arith.constant 2 : i32
        %add3A_359 = arith.addi %add3A_190, %add3A_358 : i32
        %swap3A_360 = arith.index_cast %add3A_359 : i32 to index
        %swap3A_361 = arith.constant 32 : index
        %swap3A_362 = tpu.vector_load %arg11[%swap3A_360, %swap3A_361] {strides = array<i32>} : memref<128x64xf32, #tpu.memory_space<vmem>>, vector<1x16xf32>,
        %swap3A_363 = vector.shape_cast %swap3A_362 : vector<1x16xf32> to vector<16xf32>
        %swap3A_364 = vector.shape_cast %mul3A_357 : vector<16xf32> to vector<1x16xf32>
        tpu.vector_store %arg11[%swap3A_360, %swap3A_361], %swap3A_364 {strides = array<i32>} : memref<128x64xf32, #tpu.memory_space<vmem>>, vector<1x16xf32>,
        %add3A_365 = arith.constant 2 : i32
        %add3A_366 = arith.addi %add3A_190, %add3A_365 : i32
        %get3A_367 = arith.index_cast %add3A_366 : i32 to index
        %get3A_368 = arith.constant 48 : index
        %get3A_369 = tpu.vector_load %arg7[%get3A_367, %get3A_368] {strides = array<i32>} : memref<128x64xf32, #tpu.memory_space<vmem>>, vector<1x16xf32>,
        %get3A_370 = vector.shape_cast %get3A_369 : vector<1x16xf32> to vector<16xf32>
        %mul3A_371 = arith.constant 8.000000e+00 : f32
        %mul3A_372 = vector.broadcast %mul3A_371 : f32 to vector<16xf32>
        %mul3A_373 = arith.mulf %get3A_370, %mul3A_372 : vector<16xf32>
        %add3A_374 = arith.constant 2 : i32
        %add3A_375 = arith.addi %add3A_190, %add3A_374 : i32
        %swap3A_376 = arith.index_cast %add3A_375 : i32 to index
        %swap3A_377 = arith.constant 48 : index
        %swap3A_378 = tpu.vector_load %arg11[%swap3A_376, %swap3A_377] {strides = array<i32>} : memref<128x64xf32, #tpu.memory_space<vmem>>, vector<1x16xf32>,
        %swap3A_379 = vector.shape_cast %swap3A_378 : vector<1x16xf32> to vector<16xf32>
        %swap3A_380 = vector.shape_cast %mul3A_373 : vector<16xf32> to vector<1x16xf32>
        tpu.vector_store %arg11[%swap3A_376, %swap3A_377], %swap3A_380 {strides = array<i32>} : memref<128x64xf32, #tpu.memory_space<vmem>>, vector<1x16xf32>,
        %add3A_381 = arith.constant 3 : i32
        %add3A_382 = arith.addi %add3A_190, %add3A_381 : i32
        %get3A_383 = arith.index_cast %add3A_382 : i32 to index
        %get3A_384 = arith.constant 0 : index
        %get3A_385 = tpu.vector_load %arg7[%get3A_383, %get3A_384] {strides = array<i32>} : memref<128x64xf32, #tpu.memory_space<vmem>>, vector<1x16xf32>,
        %get3A_386 = vector.shape_cast %get3A_385 : vector<1x16xf32> to vector<16xf32>
        %mul3A_387 = arith.constant 8.000000e+00 : f32
        %mul3A_388 = vector.broadcast %mul3A_387 : f32 to vector<16xf32>
        %mul3A_389 = arith.mulf %get3A_386, %mul3A_388 : vector<16xf32>
        %add3A_390 = arith.constant 3 : i32
        %add3A_391 = arith.addi %add3A_190, %add3A_390 : i32
        %swap3A_392 = arith.index_cast %add3A_391 : i32 to index
        %swap3A_393 = arith.constant 0 : index
        %swap3A_394 = tpu.vector_load %arg11[%swap3A_392, %swap3A_393] {strides = array<i32>} : memref<128x64xf32, #tpu.memory_space<vmem>>, vector<1x16xf32>,
        %swap3A_395 = vector.shape_cast %swap3A_394 : vector<1x16xf32> to vector<16xf32>
        %swap3A_396 = vector.shape_cast %mul3A_389 : vector<16xf32> to vector<1x16xf32>
        tpu.vector_store %arg11[%swap3A_392, %swap3A_393], %swap3A_396 {strides = array<i32>} : memref<128x64xf32, #tpu.memory_space<vmem>>, vector<1x16xf32>,
        %add3A_397 = arith.constant 3 : i32
        %add3A_398 = arith.addi %add3A_190, %add3A_397 : i32
        %get3A_399 = arith.index_cast %add3A_398 : i32 to index
        %get3A_400 = arith.constant 16 : index
        %get3A_401 = tpu.vector_load %arg7[%get3A_399, %get3A_400] {strides = array<i32>} : memref<128x64xf32, #tpu.memory_space<vmem>>, vector<1x16xf32>,
        %get3A_402 = vector.shape_cast %get3A_401 : vector<1x16xf32> to vector<16xf32>
        %mul3A_403 = arith.constant 8.000000e+00 : f32
        %mul3A_404 = vector.broadcast %mul3A_403 : f32 to vector<16xf32>
        %mul3A_405 = arith.mulf %get3A_402, %mul3A_404 : vector<16xf32>
        %add3A_406 = arith.constant 3 : i32
        %add3A_407 = arith.addi %add3A_190, %add3A_406 : i32
        %swap3A_408 = arith.index_cast %add3A_407 : i32 to index
        %swap3A_409 = arith.constant 16 : index
        %swap3A_410 = tpu.vector_load %arg11[%swap3A_408, %swap3A_409] {strides = array<i32>} : memref<128x64xf32, #tpu.memory_space<vmem>>, vector<1x16xf32>,
        %swap3A_411 = vector.shape_cast %swap3A_410 : vector<1x16xf32> to vector<16xf32>
        %swap3A_412 = vector.shape_cast %mul3A_405 : vector<16xf32> to vector<1x16xf32>
        tpu.vector_store %arg11[%swap3A_408, %swap3A_409], %swap3A_412 {strides = array<i32>} : memref<128x64xf32, #tpu.memory_space<vmem>>, vector<1x16xf32>,
        %add3A_413 = arith.constant 3 : i32
        %add3A_414 = arith.addi %add3A_190, %add3A_413 : i32
        %get3A_415 = arith.index_cast %add3A_414 : i32 to index
        %get3A_416 = arith.constant 32 : index
        %get3A_417 = tpu.vector_load %arg7[%get3A_415, %get3A_416] {strides = array<i32>} : memref<128x64xf32, #tpu.memory_space<vmem>>, vector<1x16xf32>,
        %get3A_418 = vector.shape_cast %get3A_417 : vector<1x16xf32> to vector<16xf32>
        %mul3A_419 = arith.constant 8.000000e+00 : f32
        %mul3A_420 = vector.broadcast %mul3A_419 : f32 to vector<16xf32>
        %mul3A_421 = arith.mulf %get3A_418, %mul3A_420 : vector<16xf32>
        %add3A_422 = arith.constant 3 : i32
        %add3A_423 = arith.addi %add3A_190, %add3A_422 : i32
        %swap3A_424 = arith.index_cast %add3A_423 : i32 to index
        %swap3A_425 = arith.constant 32 : index
        %swap3A_426 = tpu.vector_load %arg11[%swap3A_424, %swap3A_425] {strides = array<i32>} : memref<128x64xf32, #tpu.memory_space<vmem>>, vector<1x16xf32>,
        %swap3A_427 = vector.shape_cast %swap3A_426 : vector<1x16xf32> to vector<16xf32>
        %swap3A_428 = vector.shape_cast %mul3A_421 : vector<16xf32> to vector<1x16xf32>
        tpu.vector_store %arg11[%swap3A_424, %swap3A_425], %swap3A_428 {strides = array<i32>} : memref<128x64xf32, #tpu.memory_space<vmem>>, vector<1x16xf32>,
        %add3A_429 = arith.constant 3 : i32
        %add3A_430 = arith.addi %add3A_190, %add3A_429 : i32
        %get3A_431 = arith.index_cast %add3A_430 : i32 to index
        %get3A_432 = arith.constant 48 : index
        %get3A_433 = tpu.vector_load %arg7[%get3A_431, %get3A_432] {strides = array<i32>} : memref<128x64xf32, #tpu.memory_space<vmem>>, vector<1x16xf32>,
        %get3A_434 = vector.shape_cast %get3A_433 : vector<1x16xf32> to vector<16xf32>
        %mul3A_435 = arith.constant 8.000000e+00 : f32
        %mul3A_436 = vector.broadcast %mul3A_435 : f32 to vector<16xf32>
        %mul3A_437 = arith.mulf %get3A_434, %mul3A_436 : vector<16xf32>
        %add3A_438 = arith.constant 3 : i32
        %add3A_439 = arith.addi %add3A_190, %add3A_438 : i32
        %swap3A_440 = arith.index_cast %add3A_439 : i32 to index
        %swap3A_441 = arith.constant 48 : index
        %swap3A_442 = tpu.vector_load %arg11[%swap3A_440, %swap3A_441] {strides = array<i32>} : memref<128x64xf32, #tpu.memory_space<vmem>>, vector<1x16xf32>,
        %swap3A_443 = vector.shape_cast %swap3A_442 : vector<1x16xf32> to vector<16xf32>
        %swap3A_444 = vector.shape_cast %mul3A_437 : vector<16xf32> to vector<1x16xf32>
        tpu.vector_store %arg11[%swap3A_440, %swap3A_441], %swap3A_444 {strides = array<i32>} : memref<128x64xf32, #tpu.memory_space<vmem>>, vector<1x16xf32>,
      }
      %scan3A_107 = arith.constant 32 : i32
      %add3A_108 = arith.constant 4 : i32
      %add3A_109 = arith.addi %add3A_91, %add3A_108 : i32
      %lt3A_110 = arith.constant 200 : i32
      %lt3A_111 = arith.cmpi slt, %add3A_109, %lt3A_110 : i32
      %convert_element_type3A_112 = arith.extui %lt3A_111 : i1 to i32
      %cond3A_113 = arith.constant 0 : i32
      %cond3A_114 = arith.cmpi ne, %convert_element_type3A_112, %cond3A_113 : i32
      scf.if %cond3A_114 {
        %add3A_186 = arith.constant 4 : i32
        %add3A_187 = arith.addi %add3A_91, %add3A_186 : i32
        %dma_start3A_188 = arith.constant 0 : i32
        %dma_start3A_189 = tpu.memref_slice %arg5[%add3A_187, %dma_start3A_188] : memref<200x128xi32, #tpu.memory_space<vmem>> -> memref<1x128xi32, #tpu.memory_space<vmem>>
        %dma_start3A_190 = tpu.memref_squeeze %dma_start3A_189 : memref<1x128xi32, #tpu.memory_space<vmem>> -> memref<128xi32, #tpu.memory_space<vmem>>
        %dma_start3A_191 = arith.constant 0 : i32
        %dma_start3A_192 = arith.constant 0 : i32
        %dma_start3A_193 = tpu.memref_slice %arg3[%dma_start3A_191, %dma_start3A_192] : memref<1000000x64xf32, #tpu.memory_space<hbm>> -> memref<1000000x64xf32, #tpu.memory_space<hbm>>
        tpu.enqueue_indirect_dma source(%dma_start3A_193 : memref<1000000x64xf32, #tpu.memory_space<hbm>>) target(%arg7 : memref<128x64xf32, #tpu.memory_space<vmem>>) offsets(%dma_start3A_190 : memref<128xi32, #tpu.memory_space<vmem>>) semaphore(%arg15 : memref<!tpu.dma_semaphore, #tpu.memory_space<semaphore_mem>>)
      } else {
      }
      %mul3A_115 = arith.constant 128 : i32
      %mul3A_116 = arith.muli %add3A_91, %mul3A_115 : i32
      %add3A_117 = arith.addi %mul3A_29, %mul3A_116 : i32
      %dma_start3A_118 = arith.constant 0 : i32
      %dma_start3A_119 = tpu.memref_slice %arg4[%add3A_117, %dma_start3A_118] : memref<819200x64xf32, #tpu.memory_space<hbm>> -> memref<128x64xf32, #tpu.memory_space<hbm>>
      %dma_start3A_120 = arith.constant 0 : i32
      %dma_start3A_121 = tpu.memref_slice %arg4[%add3A_117, %dma_start3A_120] : memref<819200x64xf32, #tpu.memory_space<hbm>> -> memref<128x64xf32, #tpu.memory_space<hbm>>
      tpu.enqueue_dma source(%arg11 : memref<128x64xf32, #tpu.memory_space<vmem>>) target(%dma_start3A_121 : memref<128x64xf32, #tpu.memory_space<hbm>>) target_semaphore(%arg19 : memref<!tpu.dma_semaphore, #tpu.memory_space<semaphore_mem>>)
      %add3A_122 = arith.constant 2 : i32
      %add3A_123 = arith.addi %add3A_61, %add3A_122 : i32
      %dma_wait3A_124 = arith.constant 0 : i32
      %dma_wait3A_125 = tpu.memref_slice %arg5[%add3A_123, %dma_wait3A_124] : memref<200x128xi32, #tpu.memory_space<vmem>> -> memref<1x128xi32, #tpu.memory_space<vmem>>
      %dma_wait3A_126 = tpu.memref_squeeze %dma_wait3A_125 : memref<1x128xi32, #tpu.memory_space<vmem>> -> memref<128xi32, #tpu.memory_space<vmem>>
      %dma_wait3A_127 = arith.constant 0 : i32
      %dma_wait3A_128 = arith.constant 0 : i32
      %dma_wait3A_129 = tpu.memref_slice %arg3[%dma_wait3A_127, %dma_wait3A_128] : memref<1000000x64xf32, #tpu.memory_space<hbm>> -> memref<1000000x64xf32, #tpu.memory_space<hbm>>
      tpu.wait_indirect_dma semaphore(%arg16 : memref<!tpu.dma_semaphore, #tpu.memory_space<semaphore_mem>>) src(%dma_wait3A_129 : memref<1000000x64xf32, #tpu.memory_space<hbm>>) dst(%arg8 : memref<128x64xf32, #tpu.memory_space<vmem>>)
      %ge3A_130 = arith.constant 4 : i32
      %ge3A_131 = arith.cmpi sge, %add3A_123, %ge3A_130 : i32
      %convert_element_type3A_132 = arith.extui %ge3A_131 : i1 to i32
      %cond3A_133 = arith.constant 0 : i32
      %cond3A_134 = arith.cmpi ne, %convert_element_type3A_132, %cond3A_133 : i32
      scf.if %cond3A_134 {
        %sub3A = arith.constant 4 : i32
        %sub3A_186 = arith.subi %add3A_123, %sub3A : i32
        %mul3A_187 = arith.constant 128 : i32
        %mul3A_188 = arith.muli %sub3A_186, %mul3A_187 : i32
        %add3A_189 = arith.addi %mul3A_29, %mul3A_188 : i32
        %dma_wait3A_190 = arith.constant 0 : i32
        %dma_wait3A_191 = tpu.memref_slice %arg4[%add3A_189, %dma_wait3A_190] : memref<819200x64xf32, #tpu.memory_space<hbm>> -> memref<128x64xf32, #tpu.memory_space<hbm>>
        %dma_wait3A_192 = arith.constant 0 : i32
        %dma_wait3A_193 = tpu.memref_slice %arg4[%add3A_189, %dma_wait3A_192] : memref<819200x64xf32, #tpu.memory_space<hbm>> -> memref<128x64xf32, #tpu.memory_space<hbm>>
        tpu.wait_dma2 semaphore(%arg20 : memref<!tpu.dma_semaphore, #tpu.memory_space<semaphore_mem>>) src(%arg12 : memref<128x64xf32, #tpu.memory_space<vmem>>) dst(%dma_wait3A_193 : memref<128x64xf32, #tpu.memory_space<hbm>>)
      } else {
      }
      %scan3A_135 = arith.constant 0 : i32
      %scan3A_136 = arith.constant 32 : i32
      %scan3A_137 = arith.addi %scan3A_135, %scan3A_136 : i32
      %scan3A_138 = arith.constant 1 : i32
      scf.for %scan3A_186 = %scan3A_135 to %scan3A_137 step %scan3A_138  : i32 {
        %mul3A_187 = arith.constant 4 : i32
        %mul3A_188 = arith.muli %scan3A_186, %mul3A_187 : i32
        %add3A_189 = arith.constant 0 : i32
        %add3A_190 = arith.addi %add3A_189, %mul3A_188 : i32
        %add3A_191 = arith.constant 0 : i32
        %add3A_192 = arith.addi %add3A_190, %add3A_191 : i32
        %get3A = arith.index_cast %add3A_192 : i32 to index
        %get3A_193 = arith.constant 0 : index
        %get3A_194 = tpu.vector_load %arg8[%get3A, %get3A_193] {strides = array<i32>} : memref<128x64xf32, #tpu.memory_space<vmem>>, vector<1x16xf32>,
        %get3A_195 = vector.shape_cast %get3A_194 : vector<1x16xf32> to vector<16xf32>
        %mul3A_196 = arith.constant 8.000000e+00 : f32
        %mul3A_197 = vector.broadcast %mul3A_196 : f32 to vector<16xf32>
        %mul3A_198 = arith.mulf %get3A_195, %mul3A_197 : vector<16xf32>
        %add3A_199 = arith.constant 0 : i32
        %add3A_200 = arith.addi %add3A_190, %add3A_199 : i32
        %swap3A = arith.index_cast %add3A_200 : i32 to index
        %swap3A_201 = arith.constant 0 : index
        %swap3A_202 = tpu.vector_load %arg12[%swap3A, %swap3A_201] {strides = array<i32>} : memref<128x64xf32, #tpu.memory_space<vmem>>, vector<1x16xf32>,
        %swap3A_203 = vector.shape_cast %swap3A_202 : vector<1x16xf32> to vector<16xf32>
        %swap3A_204 = vector.shape_cast %mul3A_198 : vector<16xf32> to vector<1x16xf32>
        tpu.vector_store %arg12[%swap3A, %swap3A_201], %swap3A_204 {strides = array<i32>} : memref<128x64xf32, #tpu.memory_space<vmem>>, vector<1x16xf32>,
        %add3A_205 = arith.constant 0 : i32
        %add3A_206 = arith.addi %add3A_190, %add3A_205 : i32
        %get3A_207 = arith.index_cast %add3A_206 : i32 to index
        %get3A_208 = arith.constant 16 : index
        %get3A_209 = tpu.vector_load %arg8[%get3A_207, %get3A_208] {strides = array<i32>} : memref<128x64xf32, #tpu.memory_space<vmem>>, vector<1x16xf32>,
        %get3A_210 = vector.shape_cast %get3A_209 : vector<1x16xf32> to vector<16xf32>
        %mul3A_211 = arith.constant 8.000000e+00 : f32
        %mul3A_212 = vector.broadcast %mul3A_211 : f32 to vector<16xf32>
        %mul3A_213 = arith.mulf %get3A_210, %mul3A_212 : vector<16xf32>
        %add3A_214 = arith.constant 0 : i32
        %add3A_215 = arith.addi %add3A_190, %add3A_214 : i32
        %swap3A_216 = arith.index_cast %add3A_215 : i32 to index
        %swap3A_217 = arith.constant 16 : index
        %swap3A_218 = tpu.vector_load %arg12[%swap3A_216, %swap3A_217] {strides = array<i32>} : memref<128x64xf32, #tpu.memory_space<vmem>>, vector<1x16xf32>,
        %swap3A_219 = vector.shape_cast %swap3A_218 : vector<1x16xf32> to vector<16xf32>
        %swap3A_220 = vector.shape_cast %mul3A_213 : vector<16xf32> to vector<1x16xf32>
        tpu.vector_store %arg12[%swap3A_216, %swap3A_217], %swap3A_220 {strides = array<i32>} : memref<128x64xf32, #tpu.memory_space<vmem>>, vector<1x16xf32>,
        %add3A_221 = arith.constant 0 : i32
        %add3A_222 = arith.addi %add3A_190, %add3A_221 : i32
        %get3A_223 = arith.index_cast %add3A_222 : i32 to index
        %get3A_224 = arith.constant 32 : index
        %get3A_225 = tpu.vector_load %arg8[%get3A_223, %get3A_224] {strides = array<i32>} : memref<128x64xf32, #tpu.memory_space<vmem>>, vector<1x16xf32>,
        %get3A_226 = vector.shape_cast %get3A_225 : vector<1x16xf32> to vector<16xf32>
        %mul3A_227 = arith.constant 8.000000e+00 : f32
        %mul3A_228 = vector.broadcast %mul3A_227 : f32 to vector<16xf32>
        %mul3A_229 = arith.mulf %get3A_226, %mul3A_228 : vector<16xf32>
        %add3A_230 = arith.constant 0 : i32
        %add3A_231 = arith.addi %add3A_190, %add3A_230 : i32
        %swap3A_232 = arith.index_cast %add3A_231 : i32 to index
        %swap3A_233 = arith.constant 32 : index
        %swap3A_234 = tpu.vector_load %arg12[%swap3A_232, %swap3A_233] {strides = array<i32>} : memref<128x64xf32, #tpu.memory_space<vmem>>, vector<1x16xf32>,
        %swap3A_235 = vector.shape_cast %swap3A_234 : vector<1x16xf32> to vector<16xf32>
        %swap3A_236 = vector.shape_cast %mul3A_229 : vector<16xf32> to vector<1x16xf32>
        tpu.vector_store %arg12[%swap3A_232, %swap3A_233], %swap3A_236 {strides = array<i32>} : memref<128x64xf32, #tpu.memory_space<vmem>>, vector<1x16xf32>,
        %add3A_237 = arith.constant 0 : i32
        %add3A_238 = arith.addi %add3A_190, %add3A_237 : i32
        %get3A_239 = arith.index_cast %add3A_238 : i32 to index
        %get3A_240 = arith.constant 48 : index
        %get3A_241 = tpu.vector_load %arg8[%get3A_239, %get3A_240] {strides = array<i32>} : memref<128x64xf32, #tpu.memory_space<vmem>>, vector<1x16xf32>,
        %get3A_242 = vector.shape_cast %get3A_241 : vector<1x16xf32> to vector<16xf32>
        %mul3A_243 = arith.constant 8.000000e+00 : f32
        %mul3A_244 = vector.broadcast %mul3A_243 : f32 to vector<16xf32>
        %mul3A_245 = arith.mulf %get3A_242, %mul3A_244 : vector<16xf32>
        %add3A_246 = arith.constant 0 : i32
        %add3A_247 = arith.addi %add3A_190, %add3A_246 : i32
        %swap3A_248 = arith.index_cast %add3A_247 : i32 to index
        %swap3A_249 = arith.constant 48 : index
        %swap3A_250 = tpu.vector_load %arg12[%swap3A_248, %swap3A_249] {strides = array<i32>} : memref<128x64xf32, #tpu.memory_space<vmem>>, vector<1x16xf32>,
        %swap3A_251 = vector.shape_cast %swap3A_250 : vector<1x16xf32> to vector<16xf32>
        %swap3A_252 = vector.shape_cast %mul3A_245 : vector<16xf32> to vector<1x16xf32>
        tpu.vector_store %arg12[%swap3A_248, %swap3A_249], %swap3A_252 {strides = array<i32>} : memref<128x64xf32, #tpu.memory_space<vmem>>, vector<1x16xf32>,
        %add3A_253 = arith.constant 1 : i32
        %add3A_254 = arith.addi %add3A_190, %add3A_253 : i32
        %get3A_255 = arith.index_cast %add3A_254 : i32 to index
        %get3A_256 = arith.constant 0 : index
        %get3A_257 = tpu.vector_load %arg8[%get3A_255, %get3A_256] {strides = array<i32>} : memref<128x64xf32, #tpu.memory_space<vmem>>, vector<1x16xf32>,
        %get3A_258 = vector.shape_cast %get3A_257 : vector<1x16xf32> to vector<16xf32>
        %mul3A_259 = arith.constant 8.000000e+00 : f32
        %mul3A_260 = vector.broadcast %mul3A_259 : f32 to vector<16xf32>
        %mul3A_261 = arith.mulf %get3A_258, %mul3A_260 : vector<16xf32>
        %add3A_262 = arith.constant 1 : i32
        %add3A_263 = arith.addi %add3A_190, %add3A_262 : i32
        %swap3A_264 = arith.index_cast %add3A_263 : i32 to index
        %swap3A_265 = arith.constant 0 : index
        %swap3A_266 = tpu.vector_load %arg12[%swap3A_264, %swap3A_265] {strides = array<i32>} : memref<128x64xf32, #tpu.memory_space<vmem>>, vector<1x16xf32>,
        %swap3A_267 = vector.shape_cast %swap3A_266 : vector<1x16xf32> to vector<16xf32>
        %swap3A_268 = vector.shape_cast %mul3A_261 : vector<16xf32> to vector<1x16xf32>
        tpu.vector_store %arg12[%swap3A_264, %swap3A_265], %swap3A_268 {strides = array<i32>} : memref<128x64xf32, #tpu.memory_space<vmem>>, vector<1x16xf32>,
        %add3A_269 = arith.constant 1 : i32
        %add3A_270 = arith.addi %add3A_190, %add3A_269 : i32
        %get3A_271 = arith.index_cast %add3A_270 : i32 to index
        %get3A_272 = arith.constant 16 : index
        %get3A_273 = tpu.vector_load %arg8[%get3A_271, %get3A_272] {strides = array<i32>} : memref<128x64xf32, #tpu.memory_space<vmem>>, vector<1x16xf32>,
        %get3A_274 = vector.shape_cast %get3A_273 : vector<1x16xf32> to vector<16xf32>
        %mul3A_275 = arith.constant 8.000000e+00 : f32
        %mul3A_276 = vector.broadcast %mul3A_275 : f32 to vector<16xf32>
        %mul3A_277 = arith.mulf %get3A_274, %mul3A_276 : vector<16xf32>
        %add3A_278 = arith.constant 1 : i32
        %add3A_279 = arith.addi %add3A_190, %add3A_278 : i32
        %swap3A_280 = arith.index_cast %add3A_279 : i32 to index
        %swap3A_281 = arith.constant 16 : index
        %swap3A_282 = tpu.vector_load %arg12[%swap3A_280, %swap3A_281] {strides = array<i32>} : memref<128x64xf32, #tpu.memory_space<vmem>>, vector<1x16xf32>,
        %swap3A_283 = vector.shape_cast %swap3A_282 : vector<1x16xf32> to vector<16xf32>
        %swap3A_284 = vector.shape_cast %mul3A_277 : vector<16xf32> to vector<1x16xf32>
        tpu.vector_store %arg12[%swap3A_280, %swap3A_281], %swap3A_284 {strides = array<i32>} : memref<128x64xf32, #tpu.memory_space<vmem>>, vector<1x16xf32>,
        %add3A_285 = arith.constant 1 : i32
        %add3A_286 = arith.addi %add3A_190, %add3A_285 : i32
        %get3A_287 = arith.index_cast %add3A_286 : i32 to index
        %get3A_288 = arith.constant 32 : index
        %get3A_289 = tpu.vector_load %arg8[%get3A_287, %get3A_288] {strides = array<i32>} : memref<128x64xf32, #tpu.memory_space<vmem>>, vector<1x16xf32>,
        %get3A_290 = vector.shape_cast %get3A_289 : vector<1x16xf32> to vector<16xf32>
        %mul3A_291 = arith.constant 8.000000e+00 : f32
        %mul3A_292 = vector.broadcast %mul3A_291 : f32 to vector<16xf32>
        %mul3A_293 = arith.mulf %get3A_290, %mul3A_292 : vector<16xf32>
        %add3A_294 = arith.constant 1 : i32
        %add3A_295 = arith.addi %add3A_190, %add3A_294 : i32
        %swap3A_296 = arith.index_cast %add3A_295 : i32 to index
        %swap3A_297 = arith.constant 32 : index
        %swap3A_298 = tpu.vector_load %arg12[%swap3A_296, %swap3A_297] {strides = array<i32>} : memref<128x64xf32, #tpu.memory_space<vmem>>, vector<1x16xf32>,
        %swap3A_299 = vector.shape_cast %swap3A_298 : vector<1x16xf32> to vector<16xf32>
        %swap3A_300 = vector.shape_cast %mul3A_293 : vector<16xf32> to vector<1x16xf32>
        tpu.vector_store %arg12[%swap3A_296, %swap3A_297], %swap3A_300 {strides = array<i32>} : memref<128x64xf32, #tpu.memory_space<vmem>>, vector<1x16xf32>,
        %add3A_301 = arith.constant 1 : i32
        %add3A_302 = arith.addi %add3A_190, %add3A_301 : i32
        %get3A_303 = arith.index_cast %add3A_302 : i32 to index
        %get3A_304 = arith.constant 48 : index
        %get3A_305 = tpu.vector_load %arg8[%get3A_303, %get3A_304] {strides = array<i32>} : memref<128x64xf32, #tpu.memory_space<vmem>>, vector<1x16xf32>,
        %get3A_306 = vector.shape_cast %get3A_305 : vector<1x16xf32> to vector<16xf32>
        %mul3A_307 = arith.constant 8.000000e+00 : f32
        %mul3A_308 = vector.broadcast %mul3A_307 : f32 to vector<16xf32>
        %mul3A_309 = arith.mulf %get3A_306, %mul3A_308 : vector<16xf32>
        %add3A_310 = arith.constant 1 : i32
        %add3A_311 = arith.addi %add3A_190, %add3A_310 : i32
        %swap3A_312 = arith.index_cast %add3A_311 : i32 to index
        %swap3A_313 = arith.constant 48 : index
        %swap3A_314 = tpu.vector_load %arg12[%swap3A_312, %swap3A_313] {strides = array<i32>} : memref<128x64xf32, #tpu.memory_space<vmem>>, vector<1x16xf32>,
        %swap3A_315 = vector.shape_cast %swap3A_314 : vector<1x16xf32> to vector<16xf32>
        %swap3A_316 = vector.shape_cast %mul3A_309 : vector<16xf32> to vector<1x16xf32>
        tpu.vector_store %arg12[%swap3A_312, %swap3A_313], %swap3A_316 {strides = array<i32>} : memref<128x64xf32, #tpu.memory_space<vmem>>, vector<1x16xf32>,
        %add3A_317 = arith.constant 2 : i32
        %add3A_318 = arith.addi %add3A_190, %add3A_317 : i32
        %get3A_319 = arith.index_cast %add3A_318 : i32 to index
        %get3A_320 = arith.constant 0 : index
        %get3A_321 = tpu.vector_load %arg8[%get3A_319, %get3A_320] {strides = array<i32>} : memref<128x64xf32, #tpu.memory_space<vmem>>, vector<1x16xf32>,
        %get3A_322 = vector.shape_cast %get3A_321 : vector<1x16xf32> to vector<16xf32>
        %mul3A_323 = arith.constant 8.000000e+00 : f32
        %mul3A_324 = vector.broadcast %mul3A_323 : f32 to vector<16xf32>
        %mul3A_325 = arith.mulf %get3A_322, %mul3A_324 : vector<16xf32>
        %add3A_326 = arith.constant 2 : i32
        %add3A_327 = arith.addi %add3A_190, %add3A_326 : i32
        %swap3A_328 = arith.index_cast %add3A_327 : i32 to index
        %swap3A_329 = arith.constant 0 : index
        %swap3A_330 = tpu.vector_load %arg12[%swap3A_328, %swap3A_329] {strides = array<i32>} : memref<128x64xf32, #tpu.memory_space<vmem>>, vector<1x16xf32>,
        %swap3A_331 = vector.shape_cast %swap3A_330 : vector<1x16xf32> to vector<16xf32>
        %swap3A_332 = vector.shape_cast %mul3A_325 : vector<16xf32> to vector<1x16xf32>
        tpu.vector_store %arg12[%swap3A_328, %swap3A_329], %swap3A_332 {strides = array<i32>} : memref<128x64xf32, #tpu.memory_space<vmem>>, vector<1x16xf32>,
        %add3A_333 = arith.constant 2 : i32
        %add3A_334 = arith.addi %add3A_190, %add3A_333 : i32
        %get3A_335 = arith.index_cast %add3A_334 : i32 to index
        %get3A_336 = arith.constant 16 : index
        %get3A_337 = tpu.vector_load %arg8[%get3A_335, %get3A_336] {strides = array<i32>} : memref<128x64xf32, #tpu.memory_space<vmem>>, vector<1x16xf32>,
        %get3A_338 = vector.shape_cast %get3A_337 : vector<1x16xf32> to vector<16xf32>
        %mul3A_339 = arith.constant 8.000000e+00 : f32
        %mul3A_340 = vector.broadcast %mul3A_339 : f32 to vector<16xf32>
        %mul3A_341 = arith.mulf %get3A_338, %mul3A_340 : vector<16xf32>
        %add3A_342 = arith.constant 2 : i32
        %add3A_343 = arith.addi %add3A_190, %add3A_342 : i32
        %swap3A_344 = arith.index_cast %add3A_343 : i32 to index
        %swap3A_345 = arith.constant 16 : index
        %swap3A_346 = tpu.vector_load %arg12[%swap3A_344, %swap3A_345] {strides = array<i32>} : memref<128x64xf32, #tpu.memory_space<vmem>>, vector<1x16xf32>,
        %swap3A_347 = vector.shape_cast %swap3A_346 : vector<1x16xf32> to vector<16xf32>
        %swap3A_348 = vector.shape_cast %mul3A_341 : vector<16xf32> to vector<1x16xf32>
        tpu.vector_store %arg12[%swap3A_344, %swap3A_345], %swap3A_348 {strides = array<i32>} : memref<128x64xf32, #tpu.memory_space<vmem>>, vector<1x16xf32>,
        %add3A_349 = arith.constant 2 : i32
        %add3A_350 = arith.addi %add3A_190, %add3A_349 : i32
        %get3A_351 = arith.index_cast %add3A_350 : i32 to index
        %get3A_352 = arith.constant 32 : index
        %get3A_353 = tpu.vector_load %arg8[%get3A_351, %get3A_352] {strides = array<i32>} : memref<128x64xf32, #tpu.memory_space<vmem>>, vector<1x16xf32>,
        %get3A_354 = vector.shape_cast %get3A_353 : vector<1x16xf32> to vector<16xf32>
        %mul3A_355 = arith.constant 8.000000e+00 : f32
        %mul3A_356 = vector.broadcast %mul3A_355 : f32 to vector<16xf32>
        %mul3A_357 = arith.mulf %get3A_354, %mul3A_356 : vector<16xf32>
        %add3A_358 = arith.constant 2 : i32
        %add3A_359 = arith.addi %add3A_190, %add3A_358 : i32
        %swap3A_360 = arith.index_cast %add3A_359 : i32 to index
        %swap3A_361 = arith.constant 32 : index
        %swap3A_362 = tpu.vector_load %arg12[%swap3A_360, %swap3A_361] {strides = array<i32>} : memref<128x64xf32, #tpu.memory_space<vmem>>, vector<1x16xf32>,
        %swap3A_363 = vector.shape_cast %swap3A_362 : vector<1x16xf32> to vector<16xf32>
        %swap3A_364 = vector.shape_cast %mul3A_357 : vector<16xf32> to vector<1x16xf32>
        tpu.vector_store %arg12[%swap3A_360, %swap3A_361], %swap3A_364 {strides = array<i32>} : memref<128x64xf32, #tpu.memory_space<vmem>>, vector<1x16xf32>,
        %add3A_365 = arith.constant 2 : i32
        %add3A_366 = arith.addi %add3A_190, %add3A_365 : i32
        %get3A_367 = arith.index_cast %add3A_366 : i32 to index
        %get3A_368 = arith.constant 48 : index
        %get3A_369 = tpu.vector_load %arg8[%get3A_367, %get3A_368] {strides = array<i32>} : memref<128x64xf32, #tpu.memory_space<vmem>>, vector<1x16xf32>,
        %get3A_370 = vector.shape_cast %get3A_369 : vector<1x16xf32> to vector<16xf32>
        %mul3A_371 = arith.constant 8.000000e+00 : f32
        %mul3A_372 = vector.broadcast %mul3A_371 : f32 to vector<16xf32>
        %mul3A_373 = arith.mulf %get3A_370, %mul3A_372 : vector<16xf32>
        %add3A_374 = arith.constant 2 : i32
        %add3A_375 = arith.addi %add3A_190, %add3A_374 : i32
        %swap3A_376 = arith.index_cast %add3A_375 : i32 to index
        %swap3A_377 = arith.constant 48 : index
        %swap3A_378 = tpu.vector_load %arg12[%swap3A_376, %swap3A_377] {strides = array<i32>} : memref<128x64xf32, #tpu.memory_space<vmem>>, vector<1x16xf32>,
        %swap3A_379 = vector.shape_cast %swap3A_378 : vector<1x16xf32> to vector<16xf32>
        %swap3A_380 = vector.shape_cast %mul3A_373 : vector<16xf32> to vector<1x16xf32>
        tpu.vector_store %arg12[%swap3A_376, %swap3A_377], %swap3A_380 {strides = array<i32>} : memref<128x64xf32, #tpu.memory_space<vmem>>, vector<1x16xf32>,
        %add3A_381 = arith.constant 3 : i32
        %add3A_382 = arith.addi %add3A_190, %add3A_381 : i32
        %get3A_383 = arith.index_cast %add3A_382 : i32 to index
        %get3A_384 = arith.constant 0 : index
        %get3A_385 = tpu.vector_load %arg8[%get3A_383, %get3A_384] {strides = array<i32>} : memref<128x64xf32, #tpu.memory_space<vmem>>, vector<1x16xf32>,
        %get3A_386 = vector.shape_cast %get3A_385 : vector<1x16xf32> to vector<16xf32>
        %mul3A_387 = arith.constant 8.000000e+00 : f32
        %mul3A_388 = vector.broadcast %mul3A_387 : f32 to vector<16xf32>
        %mul3A_389 = arith.mulf %get3A_386, %mul3A_388 : vector<16xf32>
        %add3A_390 = arith.constant 3 : i32
        %add3A_391 = arith.addi %add3A_190, %add3A_390 : i32
        %swap3A_392 = arith.index_cast %add3A_391 : i32 to index
        %swap3A_393 = arith.constant 0 : index
        %swap3A_394 = tpu.vector_load %arg12[%swap3A_392, %swap3A_393] {strides = array<i32>} : memref<128x64xf32, #tpu.memory_space<vmem>>, vector<1x16xf32>,
        %swap3A_395 = vector.shape_cast %swap3A_394 : vector<1x16xf32> to vector<16xf32>
        %swap3A_396 = vector.shape_cast %mul3A_389 : vector<16xf32> to vector<1x16xf32>
        tpu.vector_store %arg12[%swap3A_392, %swap3A_393], %swap3A_396 {strides = array<i32>} : memref<128x64xf32, #tpu.memory_space<vmem>>, vector<1x16xf32>,
        %add3A_397 = arith.constant 3 : i32
        %add3A_398 = arith.addi %add3A_190, %add3A_397 : i32
        %get3A_399 = arith.index_cast %add3A_398 : i32 to index
        %get3A_400 = arith.constant 16 : index
        %get3A_401 = tpu.vector_load %arg8[%get3A_399, %get3A_400] {strides = array<i32>} : memref<128x64xf32, #tpu.memory_space<vmem>>, vector<1x16xf32>,
        %get3A_402 = vector.shape_cast %get3A_401 : vector<1x16xf32> to vector<16xf32>
        %mul3A_403 = arith.constant 8.000000e+00 : f32
        %mul3A_404 = vector.broadcast %mul3A_403 : f32 to vector<16xf32>
        %mul3A_405 = arith.mulf %get3A_402, %mul3A_404 : vector<16xf32>
        %add3A_406 = arith.constant 3 : i32
        %add3A_407 = arith.addi %add3A_190, %add3A_406 : i32
        %swap3A_408 = arith.index_cast %add3A_407 : i32 to index
        %swap3A_409 = arith.constant 16 : index
        %swap3A_410 = tpu.vector_load %arg12[%swap3A_408, %swap3A_409] {strides = array<i32>} : memref<128x64xf32, #tpu.memory_space<vmem>>, vector<1x16xf32>,
        %swap3A_411 = vector.shape_cast %swap3A_410 : vector<1x16xf32> to vector<16xf32>
        %swap3A_412 = vector.shape_cast %mul3A_405 : vector<16xf32> to vector<1x16xf32>
        tpu.vector_store %arg12[%swap3A_408, %swap3A_409], %swap3A_412 {strides = array<i32>} : memref<128x64xf32, #tpu.memory_space<vmem>>, vector<1x16xf32>,
        %add3A_413 = arith.constant 3 : i32
        %add3A_414 = arith.addi %add3A_190, %add3A_413 : i32
        %get3A_415 = arith.index_cast %add3A_414 : i32 to index
        %get3A_416 = arith.constant 32 : index
        %get3A_417 = tpu.vector_load %arg8[%get3A_415, %get3A_416] {strides = array<i32>} : memref<128x64xf32, #tpu.memory_space<vmem>>, vector<1x16xf32>,
        %get3A_418 = vector.shape_cast %get3A_417 : vector<1x16xf32> to vector<16xf32>
        %mul3A_419 = arith.constant 8.000000e+00 : f32
        %mul3A_420 = vector.broadcast %mul3A_419 : f32 to vector<16xf32>
        %mul3A_421 = arith.mulf %get3A_418, %mul3A_420 : vector<16xf32>
        %add3A_422 = arith.constant 3 : i32
        %add3A_423 = arith.addi %add3A_190, %add3A_422 : i32
        %swap3A_424 = arith.index_cast %add3A_423 : i32 to index
        %swap3A_425 = arith.constant 32 : index
        %swap3A_426 = tpu.vector_load %arg12[%swap3A_424, %swap3A_425] {strides = array<i32>} : memref<128x64xf32, #tpu.memory_space<vmem>>, vector<1x16xf32>,
        %swap3A_427 = vector.shape_cast %swap3A_426 : vector<1x16xf32> to vector<16xf32>
        %swap3A_428 = vector.shape_cast %mul3A_421 : vector<16xf32> to vector<1x16xf32>
        tpu.vector_store %arg12[%swap3A_424, %swap3A_425], %swap3A_428 {strides = array<i32>} : memref<128x64xf32, #tpu.memory_space<vmem>>, vector<1x16xf32>,
        %add3A_429 = arith.constant 3 : i32
        %add3A_430 = arith.addi %add3A_190, %add3A_429 : i32
        %get3A_431 = arith.index_cast %add3A_430 : i32 to index
        %get3A_432 = arith.constant 48 : index
        %get3A_433 = tpu.vector_load %arg8[%get3A_431, %get3A_432] {strides = array<i32>} : memref<128x64xf32, #tpu.memory_space<vmem>>, vector<1x16xf32>,
        %get3A_434 = vector.shape_cast %get3A_433 : vector<1x16xf32> to vector<16xf32>
        %mul3A_435 = arith.constant 8.000000e+00 : f32
        %mul3A_436 = vector.broadcast %mul3A_435 : f32 to vector<16xf32>
        %mul3A_437 = arith.mulf %get3A_434, %mul3A_436 : vector<16xf32>
        %add3A_438 = arith.constant 3 : i32
        %add3A_439 = arith.addi %add3A_190, %add3A_438 : i32
        %swap3A_440 = arith.index_cast %add3A_439 : i32 to index
        %swap3A_441 = arith.constant 48 : index
        %swap3A_442 = tpu.vector_load %arg12[%swap3A_440, %swap3A_441] {strides = array<i32>} : memref<128x64xf32, #tpu.memory_space<vmem>>, vector<1x16xf32>,
        %swap3A_443 = vector.shape_cast %swap3A_442 : vector<1x16xf32> to vector<16xf32>
        %swap3A_444 = vector.shape_cast %mul3A_437 : vector<16xf32> to vector<1x16xf32>
        tpu.vector_store %arg12[%swap3A_440, %swap3A_441], %swap3A_444 {strides = array<i32>} : memref<128x64xf32, #tpu.memory_space<vmem>>, vector<1x16xf32>,
      }
      %scan3A_139 = arith.constant 32 : i32
      %add3A_140 = arith.constant 4 : i32
      %add3A_141 = arith.addi %add3A_123, %add3A_140 : i32
      %lt3A_142 = arith.constant 200 : i32
      %lt3A_143 = arith.cmpi slt, %add3A_141, %lt3A_142 : i32
      %convert_element_type3A_144 = arith.extui %lt3A_143 : i1 to i32
      %cond3A_145 = arith.constant 0 : i32
      %cond3A_146 = arith.cmpi ne, %convert_element_type3A_144, %cond3A_145 : i32
      scf.if %cond3A_146 {
        %add3A_186 = arith.constant 4 : i32
        %add3A_187 = arith.addi %add3A_123, %add3A_186 : i32
        %dma_start3A_188 = arith.constant 0 : i32
        %dma_start3A_189 = tpu.memref_slice %arg5[%add3A_187, %dma_start3A_188] : memref<200x128xi32, #tpu.memory_space<vmem>> -> memref<1x128xi32, #tpu.memory_space<vmem>>
        %dma_start3A_190 = tpu.memref_squeeze %dma_start3A_189 : memref<1x128xi32, #tpu.memory_space<vmem>> -> memref<128xi32, #tpu.memory_space<vmem>>
        %dma_start3A_191 = arith.constant 0 : i32
        %dma_start3A_192 = arith.constant 0 : i32
        %dma_start3A_193 = tpu.memref_slice %arg3[%dma_start3A_191, %dma_start3A_192] : memref<1000000x64xf32, #tpu.memory_space<hbm>> -> memref<1000000x64xf32, #tpu.memory_space<hbm>>
        tpu.enqueue_indirect_dma source(%dma_start3A_193 : memref<1000000x64xf32, #tpu.memory_space<hbm>>) target(%arg8 : memref<128x64xf32, #tpu.memory_space<vmem>>) offsets(%dma_start3A_190 : memref<128xi32, #tpu.memory_space<vmem>>) semaphore(%arg16 : memref<!tpu.dma_semaphore, #tpu.memory_space<semaphore_mem>>)
      } else {
      }
      %mul3A_147 = arith.constant 128 : i32
      %mul3A_148 = arith.muli %add3A_123, %mul3A_147 : i32
      %add3A_149 = arith.addi %mul3A_29, %mul3A_148 : i32
      %dma_start3A_150 = arith.constant 0 : i32
      %dma_start3A_151 = tpu.memref_slice %arg4[%add3A_149, %dma_start3A_150] : memref<819200x64xf32, #tpu.memory_space<hbm>> -> memref<128x64xf32, #tpu.memory_space<hbm>>
      %dma_start3A_152 = arith.constant 0 : i32
      %dma_start3A_153 = tpu.memref_slice %arg4[%add3A_149, %dma_start3A_152] : memref<819200x64xf32, #tpu.memory_space<hbm>> -> memref<128x64xf32, #tpu.memory_space<hbm>>
      tpu.enqueue_dma source(%arg12 : memref<128x64xf32, #tpu.memory_space<vmem>>) target(%dma_start3A_153 : memref<128x64xf32, #tpu.memory_space<hbm>>) target_semaphore(%arg20 : memref<!tpu.dma_semaphore, #tpu.memory_space<semaphore_mem>>)
      %add3A_154 = arith.constant 3 : i32
      %add3A_155 = arith.addi %add3A_61, %add3A_154 : i32
      %dma_wait3A_156 = arith.constant 0 : i32
      %dma_wait3A_157 = tpu.memref_slice %arg5[%add3A_155, %dma_wait3A_156] : memref<200x128xi32, #tpu.memory_space<vmem>> -> memref<1x128xi32, #tpu.memory_space<vmem>>
      %dma_wait3A_158 = tpu.memref_squeeze %dma_wait3A_157 : memref<1x128xi32, #tpu.memory_space<vmem>> -> memref<128xi32, #tpu.memory_space<vmem>>
      %dma_wait3A_159 = arith.constant 0 : i32
      %dma_wait3A_160 = arith.constant 0 : i32
      %dma_wait3A_161 = tpu.memref_slice %arg3[%dma_wait3A_159, %dma_wait3A_160] : memref<1000000x64xf32, #tpu.memory_space<hbm>> -> memref<1000000x64xf32, #tpu.memory_space<hbm>>
      tpu.wait_indirect_dma semaphore(%arg17 : memref<!tpu.dma_semaphore, #tpu.memory_space<semaphore_mem>>) src(%dma_wait3A_161 : memref<1000000x64xf32, #tpu.memory_space<hbm>>) dst(%arg9 : memref<128x64xf32, #tpu.memory_space<vmem>>)
      %ge3A_162 = arith.constant 4 : i32
      %ge3A_163 = arith.cmpi sge, %add3A_155, %ge3A_162 : i32
      %convert_element_type3A_164 = arith.extui %ge3A_163 : i1 to i32
      %cond3A_165 = arith.constant 0 : i32
      %cond3A_166 = arith.cmpi ne, %convert_element_type3A_164, %cond3A_165 : i32
      scf.if %cond3A_166 {
        %sub3A = arith.constant 4 : i32
        %sub3A_186 = arith.subi %add3A_155, %sub3A : i32
        %mul3A_187 = arith.constant 128 : i32
        %mul3A_188 = arith.muli %sub3A_186, %mul3A_187 : i32
        %add3A_189 = arith.addi %mul3A_29, %mul3A_188 : i32
        %dma_wait3A_190 = arith.constant 0 : i32
        %dma_wait3A_191 = tpu.memref_slice %arg4[%add3A_189, %dma_wait3A_190] : memref<819200x64xf32, #tpu.memory_space<hbm>> -> memref<128x64xf32, #tpu.memory_space<hbm>>
        %dma_wait3A_192 = arith.constant 0 : i32
        %dma_wait3A_193 = tpu.memref_slice %arg4[%add3A_189, %dma_wait3A_192] : memref<819200x64xf32, #tpu.memory_space<hbm>> -> memref<128x64xf32, #tpu.memory_space<hbm>>
        tpu.wait_dma2 semaphore(%arg21 : memref<!tpu.dma_semaphore, #tpu.memory_space<semaphore_mem>>) src(%arg13 : memref<128x64xf32, #tpu.memory_space<vmem>>) dst(%dma_wait3A_193 : memref<128x64xf32, #tpu.memory_space<hbm>>)
      } else {
      }
      %scan3A_167 = arith.constant 0 : i32
      %scan3A_168 = arith.constant 32 : i32
      %scan3A_169 = arith.addi %scan3A_167, %scan3A_168 : i32
      %scan3A_170 = arith.constant 1 : i32
      scf.for %scan3A_186 = %scan3A_167 to %scan3A_169 step %scan3A_170  : i32 {
        %mul3A_187 = arith.constant 4 : i32
        %mul3A_188 = arith.muli %scan3A_186, %mul3A_187 : i32
        %add3A_189 = arith.constant 0 : i32
        %add3A_190 = arith.addi %add3A_189, %mul3A_188 : i32
        %add3A_191 = arith.constant 0 : i32
        %add3A_192 = arith.addi %add3A_190, %add3A_191 : i32
        %get3A = arith.index_cast %add3A_192 : i32 to index
        %get3A_193 = arith.constant 0 : index
        %get3A_194 = tpu.vector_load %arg9[%get3A, %get3A_193] {strides = array<i32>} : memref<128x64xf32, #tpu.memory_space<vmem>>, vector<1x16xf32>,
        %get3A_195 = vector.shape_cast %get3A_194 : vector<1x16xf32> to vector<16xf32>
        %mul3A_196 = arith.constant 8.000000e+00 : f32
        %mul3A_197 = vector.broadcast %mul3A_196 : f32 to vector<16xf32>
        %mul3A_198 = arith.mulf %get3A_195, %mul3A_197 : vector<16xf32>
        %add3A_199 = arith.constant 0 : i32
        %add3A_200 = arith.addi %add3A_190, %add3A_199 : i32
        %swap3A = arith.index_cast %add3A_200 : i32 to index
        %swap3A_201 = arith.constant 0 : index
        %swap3A_202 = tpu.vector_load %arg13[%swap3A, %swap3A_201] {strides = array<i32>} : memref<128x64xf32, #tpu.memory_space<vmem>>, vector<1x16xf32>,
        %swap3A_203 = vector.shape_cast %swap3A_202 : vector<1x16xf32> to vector<16xf32>
        %swap3A_204 = vector.shape_cast %mul3A_198 : vector<16xf32> to vector<1x16xf32>
        tpu.vector_store %arg13[%swap3A, %swap3A_201], %swap3A_204 {strides = array<i32>} : memref<128x64xf32, #tpu.memory_space<vmem>>, vector<1x16xf32>,
        %add3A_205 = arith.constant 0 : i32
        %add3A_206 = arith.addi %add3A_190, %add3A_205 : i32
        %get3A_207 = arith.index_cast %add3A_206 : i32 to index
        %get3A_208 = arith.constant 16 : index
        %get3A_209 = tpu.vector_load %arg9[%get3A_207, %get3A_208] {strides = array<i32>} : memref<128x64xf32, #tpu.memory_space<vmem>>, vector<1x16xf32>,
        %get3A_210 = vector.shape_cast %get3A_209 : vector<1x16xf32> to vector<16xf32>
        %mul3A_211 = arith.constant 8.000000e+00 : f32
        %mul3A_212 = vector.broadcast %mul3A_211 : f32 to vector<16xf32>
        %mul3A_213 = arith.mulf %get3A_210, %mul3A_212 : vector<16xf32>
        %add3A_214 = arith.constant 0 : i32
        %add3A_215 = arith.addi %add3A_190, %add3A_214 : i32
        %swap3A_216 = arith.index_cast %add3A_215 : i32 to index
        %swap3A_217 = arith.constant 16 : index
        %swap3A_218 = tpu.vector_load %arg13[%swap3A_216, %swap3A_217] {strides = array<i32>} : memref<128x64xf32, #tpu.memory_space<vmem>>, vector<1x16xf32>,
        %swap3A_219 = vector.shape_cast %swap3A_218 : vector<1x16xf32> to vector<16xf32>
        %swap3A_220 = vector.shape_cast %mul3A_213 : vector<16xf32> to vector<1x16xf32>
        tpu.vector_store %arg13[%swap3A_216, %swap3A_217], %swap3A_220 {strides = array<i32>} : memref<128x64xf32, #tpu.memory_space<vmem>>, vector<1x16xf32>,
        %add3A_221 = arith.constant 0 : i32
        %add3A_222 = arith.addi %add3A_190, %add3A_221 : i32
        %get3A_223 = arith.index_cast %add3A_222 : i32 to index
        %get3A_224 = arith.constant 32 : index
        %get3A_225 = tpu.vector_load %arg9[%get3A_223, %get3A_224] {strides = array<i32>} : memref<128x64xf32, #tpu.memory_space<vmem>>, vector<1x16xf32>,
        %get3A_226 = vector.shape_cast %get3A_225 : vector<1x16xf32> to vector<16xf32>
        %mul3A_227 = arith.constant 8.000000e+00 : f32
        %mul3A_228 = vector.broadcast %mul3A_227 : f32 to vector<16xf32>
        %mul3A_229 = arith.mulf %get3A_226, %mul3A_228 : vector<16xf32>
        %add3A_230 = arith.constant 0 : i32
        %add3A_231 = arith.addi %add3A_190, %add3A_230 : i32
        %swap3A_232 = arith.index_cast %add3A_231 : i32 to index
        %swap3A_233 = arith.constant 32 : index
        %swap3A_234 = tpu.vector_load %arg13[%swap3A_232, %swap3A_233] {strides = array<i32>} : memref<128x64xf32, #tpu.memory_space<vmem>>, vector<1x16xf32>,
        %swap3A_235 = vector.shape_cast %swap3A_234 : vector<1x16xf32> to vector<16xf32>
        %swap3A_236 = vector.shape_cast %mul3A_229 : vector<16xf32> to vector<1x16xf32>
        tpu.vector_store %arg13[%swap3A_232, %swap3A_233], %swap3A_236 {strides = array<i32>} : memref<128x64xf32, #tpu.memory_space<vmem>>, vector<1x16xf32>,
        %add3A_237 = arith.constant 0 : i32
        %add3A_238 = arith.addi %add3A_190, %add3A_237 : i32
        %get3A_239 = arith.index_cast %add3A_238 : i32 to index
        %get3A_240 = arith.constant 48 : index
        %get3A_241 = tpu.vector_load %arg9[%get3A_239, %get3A_240] {strides = array<i32>} : memref<128x64xf32, #tpu.memory_space<vmem>>, vector<1x16xf32>,
        %get3A_242 = vector.shape_cast %get3A_241 : vector<1x16xf32> to vector<16xf32>
        %mul3A_243 = arith.constant 8.000000e+00 : f32
        %mul3A_244 = vector.broadcast %mul3A_243 : f32 to vector<16xf32>
        %mul3A_245 = arith.mulf %get3A_242, %mul3A_244 : vector<16xf32>
        %add3A_246 = arith.constant 0 : i32
        %add3A_247 = arith.addi %add3A_190, %add3A_246 : i32
        %swap3A_248 = arith.index_cast %add3A_247 : i32 to index
        %swap3A_249 = arith.constant 48 : index
        %swap3A_250 = tpu.vector_load %arg13[%swap3A_248, %swap3A_249] {strides = array<i32>} : memref<128x64xf32, #tpu.memory_space<vmem>>, vector<1x16xf32>,
        %swap3A_251 = vector.shape_cast %swap3A_250 : vector<1x16xf32> to vector<16xf32>
        %swap3A_252 = vector.shape_cast %mul3A_245 : vector<16xf32> to vector<1x16xf32>
        tpu.vector_store %arg13[%swap3A_248, %swap3A_249], %swap3A_252 {strides = array<i32>} : memref<128x64xf32, #tpu.memory_space<vmem>>, vector<1x16xf32>,
        %add3A_253 = arith.constant 1 : i32
        %add3A_254 = arith.addi %add3A_190, %add3A_253 : i32
        %get3A_255 = arith.index_cast %add3A_254 : i32 to index
        %get3A_256 = arith.constant 0 : index
        %get3A_257 = tpu.vector_load %arg9[%get3A_255, %get3A_256] {strides = array<i32>} : memref<128x64xf32, #tpu.memory_space<vmem>>, vector<1x16xf32>,
        %get3A_258 = vector.shape_cast %get3A_257 : vector<1x16xf32> to vector<16xf32>
        %mul3A_259 = arith.constant 8.000000e+00 : f32
        %mul3A_260 = vector.broadcast %mul3A_259 : f32 to vector<16xf32>
        %mul3A_261 = arith.mulf %get3A_258, %mul3A_260 : vector<16xf32>
        %add3A_262 = arith.constant 1 : i32
        %add3A_263 = arith.addi %add3A_190, %add3A_262 : i32
        %swap3A_264 = arith.index_cast %add3A_263 : i32 to index
        %swap3A_265 = arith.constant 0 : index
        %swap3A_266 = tpu.vector_load %arg13[%swap3A_264, %swap3A_265] {strides = array<i32>} : memref<128x64xf32, #tpu.memory_space<vmem>>, vector<1x16xf32>,
        %swap3A_267 = vector.shape_cast %swap3A_266 : vector<1x16xf32> to vector<16xf32>
        %swap3A_268 = vector.shape_cast %mul3A_261 : vector<16xf32> to vector<1x16xf32>
        tpu.vector_store %arg13[%swap3A_264, %swap3A_265], %swap3A_268 {strides = array<i32>} : memref<128x64xf32, #tpu.memory_space<vmem>>, vector<1x16xf32>,
        %add3A_269 = arith.constant 1 : i32
        %add3A_270 = arith.addi %add3A_190, %add3A_269 : i32
        %get3A_271 = arith.index_cast %add3A_270 : i32 to index
        %get3A_272 = arith.constant 16 : index
        %get3A_273 = tpu.vector_load %arg9[%get3A_271, %get3A_272] {strides = array<i32>} : memref<128x64xf32, #tpu.memory_space<vmem>>, vector<1x16xf32>,
        %get3A_274 = vector.shape_cast %get3A_273 : vector<1x16xf32> to vector<16xf32>
        %mul3A_275 = arith.constant 8.000000e+00 : f32
        %mul3A_276 = vector.broadcast %mul3A_275 : f32 to vector<16xf32>
        %mul3A_277 = arith.mulf %get3A_274, %mul3A_276 : vector<16xf32>
        %add3A_278 = arith.constant 1 : i32
        %add3A_279 = arith.addi %add3A_190, %add3A_278 : i32
        %swap3A_280 = arith.index_cast %add3A_279 : i32 to index
        %swap3A_281 = arith.constant 16 : index
        %swap3A_282 = tpu.vector_load %arg13[%swap3A_280, %swap3A_281] {strides = array<i32>} : memref<128x64xf32, #tpu.memory_space<vmem>>, vector<1x16xf32>,
        %swap3A_283 = vector.shape_cast %swap3A_282 : vector<1x16xf32> to vector<16xf32>
        %swap3A_284 = vector.shape_cast %mul3A_277 : vector<16xf32> to vector<1x16xf32>
        tpu.vector_store %arg13[%swap3A_280, %swap3A_281], %swap3A_284 {strides = array<i32>} : memref<128x64xf32, #tpu.memory_space<vmem>>, vector<1x16xf32>,
        %add3A_285 = arith.constant 1 : i32
        %add3A_286 = arith.addi %add3A_190, %add3A_285 : i32
        %get3A_287 = arith.index_cast %add3A_286 : i32 to index
        %get3A_288 = arith.constant 32 : index
        %get3A_289 = tpu.vector_load %arg9[%get3A_287, %get3A_288] {strides = array<i32>} : memref<128x64xf32, #tpu.memory_space<vmem>>, vector<1x16xf32>,
        %get3A_290 = vector.shape_cast %get3A_289 : vector<1x16xf32> to vector<16xf32>
        %mul3A_291 = arith.constant 8.000000e+00 : f32
        %mul3A_292 = vector.broadcast %mul3A_291 : f32 to vector<16xf32>
        %mul3A_293 = arith.mulf %get3A_290, %mul3A_292 : vector<16xf32>
        %add3A_294 = arith.constant 1 : i32
        %add3A_295 = arith.addi %add3A_190, %add3A_294 : i32
        %swap3A_296 = arith.index_cast %add3A_295 : i32 to index
        %swap3A_297 = arith.constant 32 : index
        %swap3A_298 = tpu.vector_load %arg13[%swap3A_296, %swap3A_297] {strides = array<i32>} : memref<128x64xf32, #tpu.memory_space<vmem>>, vector<1x16xf32>,
        %swap3A_299 = vector.shape_cast %swap3A_298 : vector<1x16xf32> to vector<16xf32>
        %swap3A_300 = vector.shape_cast %mul3A_293 : vector<16xf32> to vector<1x16xf32>
        tpu.vector_store %arg13[%swap3A_296, %swap3A_297], %swap3A_300 {strides = array<i32>} : memref<128x64xf32, #tpu.memory_space<vmem>>, vector<1x16xf32>,
        %add3A_301 = arith.constant 1 : i32
        %add3A_302 = arith.addi %add3A_190, %add3A_301 : i32
        %get3A_303 = arith.index_cast %add3A_302 : i32 to index
        %get3A_304 = arith.constant 48 : index
        %get3A_305 = tpu.vector_load %arg9[%get3A_303, %get3A_304] {strides = array<i32>} : memref<128x64xf32, #tpu.memory_space<vmem>>, vector<1x16xf32>,
        %get3A_306 = vector.shape_cast %get3A_305 : vector<1x16xf32> to vector<16xf32>
        %mul3A_307 = arith.constant 8.000000e+00 : f32
        %mul3A_308 = vector.broadcast %mul3A_307 : f32 to vector<16xf32>
        %mul3A_309 = arith.mulf %get3A_306, %mul3A_308 : vector<16xf32>
        %add3A_310 = arith.constant 1 : i32
        %add3A_311 = arith.addi %add3A_190, %add3A_310 : i32
        %swap3A_312 = arith.index_cast %add3A_311 : i32 to index
        %swap3A_313 = arith.constant 48 : index
        %swap3A_314 = tpu.vector_load %arg13[%swap3A_312, %swap3A_313] {strides = array<i32>} : memref<128x64xf32, #tpu.memory_space<vmem>>, vector<1x16xf32>,
        %swap3A_315 = vector.shape_cast %swap3A_314 : vector<1x16xf32> to vector<16xf32>
        %swap3A_316 = vector.shape_cast %mul3A_309 : vector<16xf32> to vector<1x16xf32>
        tpu.vector_store %arg13[%swap3A_312, %swap3A_313], %swap3A_316 {strides = array<i32>} : memref<128x64xf32, #tpu.memory_space<vmem>>, vector<1x16xf32>,
        %add3A_317 = arith.constant 2 : i32
        %add3A_318 = arith.addi %add3A_190, %add3A_317 : i32
        %get3A_319 = arith.index_cast %add3A_318 : i32 to index
        %get3A_320 = arith.constant 0 : index
        %get3A_321 = tpu.vector_load %arg9[%get3A_319, %get3A_320] {strides = array<i32>} : memref<128x64xf32, #tpu.memory_space<vmem>>, vector<1x16xf32>,
        %get3A_322 = vector.shape_cast %get3A_321 : vector<1x16xf32> to vector<16xf32>
        %mul3A_323 = arith.constant 8.000000e+00 : f32
        %mul3A_324 = vector.broadcast %mul3A_323 : f32 to vector<16xf32>
        %mul3A_325 = arith.mulf %get3A_322, %mul3A_324 : vector<16xf32>
        %add3A_326 = arith.constant 2 : i32
        %add3A_327 = arith.addi %add3A_190, %add3A_326 : i32
        %swap3A_328 = arith.index_cast %add3A_327 : i32 to index
        %swap3A_329 = arith.constant 0 : index
        %swap3A_330 = tpu.vector_load %arg13[%swap3A_328, %swap3A_329] {strides = array<i32>} : memref<128x64xf32, #tpu.memory_space<vmem>>, vector<1x16xf32>,
        %swap3A_331 = vector.shape_cast %swap3A_330 : vector<1x16xf32> to vector<16xf32>
        %swap3A_332 = vector.shape_cast %mul3A_325 : vector<16xf32> to vector<1x16xf32>
        tpu.vector_store %arg13[%swap3A_328, %swap3A_329], %swap3A_332 {strides = array<i32>} : memref<128x64xf32, #tpu.memory_space<vmem>>, vector<1x16xf32>,
        %add3A_333 = arith.constant 2 : i32
        %add3A_334 = arith.addi %add3A_190, %add3A_333 : i32
        %get3A_335 = arith.index_cast %add3A_334 : i32 to index
        %get3A_336 = arith.constant 16 : index
        %get3A_337 = tpu.vector_load %arg9[%get3A_335, %get3A_336] {strides = array<i32>} : memref<128x64xf32, #tpu.memory_space<vmem>>, vector<1x16xf32>,
        %get3A_338 = vector.shape_cast %get3A_337 : vector<1x16xf32> to vector<16xf32>
        %mul3A_339 = arith.constant 8.000000e+00 : f32
        %mul3A_340 = vector.broadcast %mul3A_339 : f32 to vector<16xf32>
        %mul3A_341 = arith.mulf %get3A_338, %mul3A_340 : vector<16xf32>
        %add3A_342 = arith.constant 2 : i32
        %add3A_343 = arith.addi %add3A_190, %add3A_342 : i32
        %swap3A_344 = arith.index_cast %add3A_343 : i32 to index
        %swap3A_345 = arith.constant 16 : index
        %swap3A_346 = tpu.vector_load %arg13[%swap3A_344, %swap3A_345] {strides = array<i32>} : memref<128x64xf32, #tpu.memory_space<vmem>>, vector<1x16xf32>,
        %swap3A_347 = vector.shape_cast %swap3A_346 : vector<1x16xf32> to vector<16xf32>
        %swap3A_348 = vector.shape_cast %mul3A_341 : vector<16xf32> to vector<1x16xf32>
        tpu.vector_store %arg13[%swap3A_344, %swap3A_345], %swap3A_348 {strides = array<i32>} : memref<128x64xf32, #tpu.memory_space<vmem>>, vector<1x16xf32>,
        %add3A_349 = arith.constant 2 : i32
        %add3A_350 = arith.addi %add3A_190, %add3A_349 : i32
        %get3A_351 = arith.index_cast %add3A_350 : i32 to index
        %get3A_352 = arith.constant 32 : index
        %get3A_353 = tpu.vector_load %arg9[%get3A_351, %get3A_352] {strides = array<i32>} : memref<128x64xf32, #tpu.memory_space<vmem>>, vector<1x16xf32>,
        %get3A_354 = vector.shape_cast %get3A_353 : vector<1x16xf32> to vector<16xf32>
        %mul3A_355 = arith.constant 8.000000e+00 : f32
        %mul3A_356 = vector.broadcast %mul3A_355 : f32 to vector<16xf32>
        %mul3A_357 = arith.mulf %get3A_354, %mul3A_356 : vector<16xf32>
        %add3A_358 = arith.constant 2 : i32
        %add3A_359 = arith.addi %add3A_190, %add3A_358 : i32
        %swap3A_360 = arith.index_cast %add3A_359 : i32 to index
        %swap3A_361 = arith.constant 32 : index
        %swap3A_362 = tpu.vector_load %arg13[%swap3A_360, %swap3A_361] {strides = array<i32>} : memref<128x64xf32, #tpu.memory_space<vmem>>, vector<1x16xf32>,
        %swap3A_363 = vector.shape_cast %swap3A_362 : vector<1x16xf32> to vector<16xf32>
        %swap3A_364 = vector.shape_cast %mul3A_357 : vector<16xf32> to vector<1x16xf32>
        tpu.vector_store %arg13[%swap3A_360, %swap3A_361], %swap3A_364 {strides = array<i32>} : memref<128x64xf32, #tpu.memory_space<vmem>>, vector<1x16xf32>,
        %add3A_365 = arith.constant 2 : i32
        %add3A_366 = arith.addi %add3A_190, %add3A_365 : i32
        %get3A_367 = arith.index_cast %add3A_366 : i32 to index
        %get3A_368 = arith.constant 48 : index
        %get3A_369 = tpu.vector_load %arg9[%get3A_367, %get3A_368] {strides = array<i32>} : memref<128x64xf32, #tpu.memory_space<vmem>>, vector<1x16xf32>,
        %get3A_370 = vector.shape_cast %get3A_369 : vector<1x16xf32> to vector<16xf32>
        %mul3A_371 = arith.constant 8.000000e+00 : f32
        %mul3A_372 = vector.broadcast %mul3A_371 : f32 to vector<16xf32>
        %mul3A_373 = arith.mulf %get3A_370, %mul3A_372 : vector<16xf32>
        %add3A_374 = arith.constant 2 : i32
        %add3A_375 = arith.addi %add3A_190, %add3A_374 : i32
        %swap3A_376 = arith.index_cast %add3A_375 : i32 to index
        %swap3A_377 = arith.constant 48 : index
        %swap3A_378 = tpu.vector_load %arg13[%swap3A_376, %swap3A_377] {strides = array<i32>} : memref<128x64xf32, #tpu.memory_space<vmem>>, vector<1x16xf32>,
        %swap3A_379 = vector.shape_cast %swap3A_378 : vector<1x16xf32> to vector<16xf32>
        %swap3A_380 = vector.shape_cast %mul3A_373 : vector<16xf32> to vector<1x16xf32>
        tpu.vector_store %arg13[%swap3A_376, %swap3A_377], %swap3A_380 {strides = array<i32>} : memref<128x64xf32, #tpu.memory_space<vmem>>, vector<1x16xf32>,
        %add3A_381 = arith.constant 3 : i32
        %add3A_382 = arith.addi %add3A_190, %add3A_381 : i32
        %get3A_383 = arith.index_cast %add3A_382 : i32 to index
        %get3A_384 = arith.constant 0 : index
        %get3A_385 = tpu.vector_load %arg9[%get3A_383, %get3A_384] {strides = array<i32>} : memref<128x64xf32, #tpu.memory_space<vmem>>, vector<1x16xf32>,
        %get3A_386 = vector.shape_cast %get3A_385 : vector<1x16xf32> to vector<16xf32>
        %mul3A_387 = arith.constant 8.000000e+00 : f32
        %mul3A_388 = vector.broadcast %mul3A_387 : f32 to vector<16xf32>
        %mul3A_389 = arith.mulf %get3A_386, %mul3A_388 : vector<16xf32>
        %add3A_390 = arith.constant 3 : i32
        %add3A_391 = arith.addi %add3A_190, %add3A_390 : i32
        %swap3A_392 = arith.index_cast %add3A_391 : i32 to index
        %swap3A_393 = arith.constant 0 : index
        %swap3A_394 = tpu.vector_load %arg13[%swap3A_392, %swap3A_393] {strides = array<i32>} : memref<128x64xf32, #tpu.memory_space<vmem>>, vector<1x16xf32>,
        %swap3A_395 = vector.shape_cast %swap3A_394 : vector<1x16xf32> to vector<16xf32>
        %swap3A_396 = vector.shape_cast %mul3A_389 : vector<16xf32> to vector<1x16xf32>
        tpu.vector_store %arg13[%swap3A_392, %swap3A_393], %swap3A_396 {strides = array<i32>} : memref<128x64xf32, #tpu.memory_space<vmem>>, vector<1x16xf32>,
        %add3A_397 = arith.constant 3 : i32
        %add3A_398 = arith.addi %add3A_190, %add3A_397 : i32
        %get3A_399 = arith.index_cast %add3A_398 : i32 to index
        %get3A_400 = arith.constant 16 : index
        %get3A_401 = tpu.vector_load %arg9[%get3A_399, %get3A_400] {strides = array<i32>} : memref<128x64xf32, #tpu.memory_space<vmem>>, vector<1x16xf32>,
        %get3A_402 = vector.shape_cast %get3A_401 : vector<1x16xf32> to vector<16xf32>
        %mul3A_403 = arith.constant 8.000000e+00 : f32
        %mul3A_404 = vector.broadcast %mul3A_403 : f32 to vector<16xf32>
        %mul3A_405 = arith.mulf %get3A_402, %mul3A_404 : vector<16xf32>
        %add3A_406 = arith.constant 3 : i32
        %add3A_407 = arith.addi %add3A_190, %add3A_406 : i32
        %swap3A_408 = arith.index_cast %add3A_407 : i32 to index
        %swap3A_409 = arith.constant 16 : index
        %swap3A_410 = tpu.vector_load %arg13[%swap3A_408, %swap3A_409] {strides = array<i32>} : memref<128x64xf32, #tpu.memory_space<vmem>>, vector<1x16xf32>,
        %swap3A_411 = vector.shape_cast %swap3A_410 : vector<1x16xf32> to vector<16xf32>
        %swap3A_412 = vector.shape_cast %mul3A_405 : vector<16xf32> to vector<1x16xf32>
        tpu.vector_store %arg13[%swap3A_408, %swap3A_409], %swap3A_412 {strides = array<i32>} : memref<128x64xf32, #tpu.memory_space<vmem>>, vector<1x16xf32>,
        %add3A_413 = arith.constant 3 : i32
        %add3A_414 = arith.addi %add3A_190, %add3A_413 : i32
        %get3A_415 = arith.index_cast %add3A_414 : i32 to index
        %get3A_416 = arith.constant 32 : index
        %get3A_417 = tpu.vector_load %arg9[%get3A_415, %get3A_416] {strides = array<i32>} : memref<128x64xf32, #tpu.memory_space<vmem>>, vector<1x16xf32>,
        %get3A_418 = vector.shape_cast %get3A_417 : vector<1x16xf32> to vector<16xf32>
        %mul3A_419 = arith.constant 8.000000e+00 : f32
        %mul3A_420 = vector.broadcast %mul3A_419 : f32 to vector<16xf32>
        %mul3A_421 = arith.mulf %get3A_418, %mul3A_420 : vector<16xf32>
        %add3A_422 = arith.constant 3 : i32
        %add3A_423 = arith.addi %add3A_190, %add3A_422 : i32
        %swap3A_424 = arith.index_cast %add3A_423 : i32 to index
        %swap3A_425 = arith.constant 32 : index
        %swap3A_426 = tpu.vector_load %arg13[%swap3A_424, %swap3A_425] {strides = array<i32>} : memref<128x64xf32, #tpu.memory_space<vmem>>, vector<1x16xf32>,
        %swap3A_427 = vector.shape_cast %swap3A_426 : vector<1x16xf32> to vector<16xf32>
        %swap3A_428 = vector.shape_cast %mul3A_421 : vector<16xf32> to vector<1x16xf32>
        tpu.vector_store %arg13[%swap3A_424, %swap3A_425], %swap3A_428 {strides = array<i32>} : memref<128x64xf32, #tpu.memory_space<vmem>>, vector<1x16xf32>,
        %add3A_429 = arith.constant 3 : i32
        %add3A_430 = arith.addi %add3A_190, %add3A_429 : i32
        %get3A_431 = arith.index_cast %add3A_430 : i32 to index
        %get3A_432 = arith.constant 48 : index
        %get3A_433 = tpu.vector_load %arg9[%get3A_431, %get3A_432] {strides = array<i32>} : memref<128x64xf32, #tpu.memory_space<vmem>>, vector<1x16xf32>,
        %get3A_434 = vector.shape_cast %get3A_433 : vector<1x16xf32> to vector<16xf32>
        %mul3A_435 = arith.constant 8.000000e+00 : f32
        %mul3A_436 = vector.broadcast %mul3A_435 : f32 to vector<16xf32>
        %mul3A_437 = arith.mulf %get3A_434, %mul3A_436 : vector<16xf32>
        %add3A_438 = arith.constant 3 : i32
        %add3A_439 = arith.addi %add3A_190, %add3A_438 : i32
        %swap3A_440 = arith.index_cast %add3A_439 : i32 to index
        %swap3A_441 = arith.constant 48 : index
        %swap3A_442 = tpu.vector_load %arg13[%swap3A_440, %swap3A_441] {strides = array<i32>} : memref<128x64xf32, #tpu.memory_space<vmem>>, vector<1x16xf32>,
        %swap3A_443 = vector.shape_cast %swap3A_442 : vector<1x16xf32> to vector<16xf32>
        %swap3A_444 = vector.shape_cast %mul3A_437 : vector<16xf32> to vector<1x16xf32>
        tpu.vector_store %arg13[%swap3A_440, %swap3A_441], %swap3A_444 {strides = array<i32>} : memref<128x64xf32, #tpu.memory_space<vmem>>, vector<1x16xf32>,
      }
      %scan3A_171 = arith.constant 32 : i32
      %add3A_172 = arith.constant 4 : i32
      %add3A_173 = arith.addi %add3A_155, %add3A_172 : i32
      %lt3A_174 = arith.constant 200 : i32
      %lt3A_175 = arith.cmpi slt, %add3A_173, %lt3A_174 : i32
      %convert_element_type3A_176 = arith.extui %lt3A_175 : i1 to i32
      %cond3A_177 = arith.constant 0 : i32
      %cond3A_178 = arith.cmpi ne, %convert_element_type3A_176, %cond3A_177 : i32
      scf.if %cond3A_178 {
        %add3A_186 = arith.constant 4 : i32
        %add3A_187 = arith.addi %add3A_155, %add3A_186 : i32
        %dma_start3A_188 = arith.constant 0 : i32
        %dma_start3A_189 = tpu.memref_slice %arg5[%add3A_187, %dma_start3A_188] : memref<200x128xi32, #tpu.memory_space<vmem>> -> memref<1x128xi32, #tpu.memory_space<vmem>>
        %dma_start3A_190 = tpu.memref_squeeze %dma_start3A_189 : memref<1x128xi32, #tpu.memory_space<vmem>> -> memref<128xi32, #tpu.memory_space<vmem>>
        %dma_start3A_191 = arith.constant 0 : i32
        %dma_start3A_192 = arith.constant 0 : i32
        %dma_start3A_193 = tpu.memref_slice %arg3[%dma_start3A_191, %dma_start3A_192] : memref<1000000x64xf32, #tpu.memory_space<hbm>> -> memref<1000000x64xf32, #tpu.memory_space<hbm>>
        tpu.enqueue_indirect_dma source(%dma_start3A_193 : memref<1000000x64xf32, #tpu.memory_space<hbm>>) target(%arg9 : memref<128x64xf32, #tpu.memory_space<vmem>>) offsets(%dma_start3A_190 : memref<128xi32, #tpu.memory_space<vmem>>) semaphore(%arg17 : memref<!tpu.dma_semaphore, #tpu.memory_space<semaphore_mem>>)
      } else {
      }
      %mul3A_179 = arith.constant 128 : i32
      %mul3A_180 = arith.muli %add3A_155, %mul3A_179 : i32
      %add3A_181 = arith.addi %mul3A_29, %mul3A_180 : i32
      %dma_start3A_182 = arith.constant 0 : i32
      %dma_start3A_183 = tpu.memref_slice %arg4[%add3A_181, %dma_start3A_182] : memref<819200x64xf32, #tpu.memory_space<hbm>> -> memref<128x64xf32, #tpu.memory_space<hbm>>
      %dma_start3A_184 = arith.constant 0 : i32
      %dma_start3A_185 = tpu.memref_slice %arg4[%add3A_181, %dma_start3A_184] : memref<819200x64xf32, #tpu.memory_space<hbm>> -> memref<128x64xf32, #tpu.memory_space<hbm>>
      tpu.enqueue_dma source(%arg13 : memref<128x64xf32, #tpu.memory_space<vmem>>) target(%dma_start3A_185 : memref<128x64xf32, #tpu.memory_space<hbm>>) target_semaphore(%arg21 : memref<!tpu.dma_semaphore, #tpu.memory_space<semaphore_mem>>)
    }
    %scan3A_33 = arith.constant 50 : i32
    %add3A_34 = arith.constant 25088 : i32
    %add3A_35 = arith.addi %mul3A_29, %add3A_34 : i32
    %dma_wait3A = arith.constant 0 : i32
    %dma_wait3A_36 = tpu.memref_slice %arg4[%add3A_35, %dma_wait3A] : memref<819200x64xf32, #tpu.memory_space<hbm>> -> memref<128x64xf32, #tpu.memory_space<hbm>>
    %dma_wait3A_37 = arith.constant 0 : i32
    %dma_wait3A_38 = tpu.memref_slice %arg4[%add3A_35, %dma_wait3A_37] : memref<819200x64xf32, #tpu.memory_space<hbm>> -> memref<128x64xf32, #tpu.memory_space<hbm>>
    tpu.wait_dma2 semaphore(%arg18 : memref<!tpu.dma_semaphore, #tpu.memory_space<semaphore_mem>>) src(%arg10 : memref<128x64xf32, #tpu.memory_space<vmem>>) dst(%dma_wait3A_38 : memref<128x64xf32, #tpu.memory_space<hbm>>)
    %add3A_39 = arith.constant 25216 : i32
    %add3A_40 = arith.addi %mul3A_29, %add3A_39 : i32
    %dma_wait3A_41 = arith.constant 0 : i32
    %dma_wait3A_42 = tpu.memref_slice %arg4[%add3A_40, %dma_wait3A_41] : memref<819200x64xf32, #tpu.memory_space<hbm>> -> memref<128x64xf32, #tpu.memory_space<hbm>>
    %dma_wait3A_43 = arith.constant 0 : i32
    %dma_wait3A_44 = tpu.memref_slice %arg4[%add3A_40, %dma_wait3A_43] : memref<819200x64xf32, #tpu.memory_space<hbm>> -> memref<128x64xf32, #tpu.memory_space<hbm>>
    tpu.wait_dma2 semaphore(%arg19 : memref<!tpu.dma_semaphore, #tpu.memory_space<semaphore_mem>>) src(%arg11 : memref<128x64xf32, #tpu.memory_space<vmem>>) dst(%dma_wait3A_44 : memref<128x64xf32, #tpu.memory_space<hbm>>)
    %add3A_45 = arith.constant 25344 : i32
    %add3A_46 = arith.addi %mul3A_29, %add3A_45 : i32
    %dma_wait3A_47 = arith.constant 0 : i32
    %dma_wait3A_48 = tpu.memref_slice %arg4[%add3A_46, %dma_wait3A_47] : memref<819200x64xf32, #tpu.memory_space<hbm>> -> memref<128x64xf32, #tpu.memory_space<hbm>>
    %dma_wait3A_49 = arith.constant 0 : i32
    %dma_wait3A_50 = tpu.memref_slice %arg4[%add3A_46, %dma_wait3A_49] : memref<819200x64xf32, #tpu.memory_space<hbm>> -> memref<128x64xf32, #tpu.memory_space<hbm>>
    tpu.wait_dma2 semaphore(%arg20 : memref<!tpu.dma_semaphore, #tpu.memory_space<semaphore_mem>>) src(%arg12 : memref<128x64xf32, #tpu.memory_space<vmem>>) dst(%dma_wait3A_50 : memref<128x64xf32, #tpu.memory_space<hbm>>)
    %add3A_51 = arith.constant 25472 : i32
    %add3A_52 = arith.addi %mul3A_29, %add3A_51 : i32
    %dma_wait3A_53 = arith.constant 0 : i32
    %dma_wait3A_54 = tpu.memref_slice %arg4[%add3A_52, %dma_wait3A_53] : memref<819200x64xf32, #tpu.memory_space<hbm>> -> memref<128x64xf32, #tpu.memory_space<hbm>>
    %dma_wait3A_55 = arith.constant 0 : i32
    %dma_wait3A_56 = tpu.memref_slice %arg4[%add3A_52, %dma_wait3A_55] : memref<819200x64xf32, #tpu.memory_space<hbm>> -> memref<128x64xf32, #tpu.memory_space<hbm>>
    tpu.wait_dma2 semaphore(%arg21 : memref<!tpu.dma_semaphore, #tpu.memory_space<semaphore_mem>>) src(%arg13 : memref<128x64xf32, #tpu.memory_space<vmem>>) dst(%dma_wait3A_56 : memref<128x64xf32, #tpu.memory_space<hbm>>)
    return
  }
}

</mosaic_0001>

<sc_bundles>
// kernel: kernel.3.cloned.1.call-start
scs
__scs_entry_jumppad:
0x0: {  	(pc) =	sbr.rel $0x88, $3  }
0x1: {  	(tag) =	ssettag $0x0;
	lr =	simm.s32 $0x1  }
0x2: {  	[smem:$0x3F9F] =	sst lr;
	_ =	strace $0xD0000000  }
0x3: {  	_ = 	snop  }
0x4: {  	_ = 	snop  }
0x5: {  	_ = 	snop  }
0x6: {  	_ = 	snop  }
0x7: {  	_ = 	snop  }
__scs_overlays_trampoline_lowered:
0x8: {  	[smem:$0x3FAE] =	sst s0  }
0x9: {  	[smem:$0x3FAF] =	sst s1  }
0xa: {  	[smem:$0x3FB0] =	sst s2  }
0xb: {  	[smem:$0x3FB1] =	sst s3  }
0xc: {  	[smem:$0x3FB2] =	sst s4  }
0xd: {  	[smem:$0x3FB3] =	sst s5  }
0xe: {  	[smem:$0x3FB4] =	sst s6  }
0xf: {  	[smem:$0x3FB5] =	sst s7  }
0x10: {  	[smem:$0x3FB6] =	sst s8  }
0x11: {  	[smem:$0x3FB7] =	sst s9;
	s0 =	simm.s32 @!p0 $0x0  }
0x12: {  	s1 =	sld [smem:$0x3F9D];
	s0 =	simm.s32 @p0 $0x1  }
0x13: {  	[smem:$0x3FB8] =	sst s0;
	s0 =	simm.s32 @!p1 $0x0  }
0x14: {  	s2 =	sld [smem:$0x3F9C];
	s0 =	simm.s32 @p1 $0x1  }
0x15: {  	[smem:$0x3FB9] =	sst s0;
	s0 =	simm.s32 @!p2 $0x0  }
0x16: {  	s3 =	sld [smem:$0x3FDB];
	s0 =	simm.s32 @p2 $0x1  }
0x17: {  	s4 =	simm.s32 $0x1BF5;
	[smem:$0x3FBB] =	sst s0  }
0x18: {  	s0 =	sld [smem:$0x3F9E];
	_ =	swait.ge [sflag:s4], $0x0  }
0x19: {  	s7 =	sld [smem:$0x3F9F]  }
0x1a: {  	s8 =	sadd.s32 $0xFFFFE003, lr  }
0x1b: {  	s9 =	sadd.s32 $0xFFFFFEF7, lr;
	s5 =	simm.s32 $0xFFFFFFFF;
	p2 =	slt.u32 s8, $0xFFFFF086  }
0x1c: {  	p1 =	slt.u32 s9, $0xF7A;
	s5 =	simm.s32 @!p2 $0x0  }
0x1d: {  	s5 =	simm.s32 @p1 $0x1;
	p0 =	seq.s32 s7, s2  }
0x1e: {  	s7 =	smul.u32 @!p0 $0xF7A, s2;
	p2 =	seq.s32 @!p0 s5, $0x0  }
0x1f: {  	s9 =	smul.u32 $0xF7A, s1;
	s8 =	simm.s32 @!p0 $0x1BF5;
	p2 =	por !p2, p0  }
0x20: {  	[sflag:s8] =	ssyncset.s32 @!p0 $0xFFFFF086;
	s6 =	sadd.s32 @!p0 s3, s7;
	s7 =	simm.s32 @!p0 $0x108  }
0x21: {  	s3 =	sadd.s32 s3, s9;
	s6 =	sadd.s32 @!p0 $0x88, s6;
	s7 =	simm.s32 @p2 $0x1082  }
0x22: {  	[simem:s7], [sflag:s8] =	dma.local @!p0 [hbm:s6], $0xF7A  }
0x23: {  	s9 =	sor.u32 $0xD0000000, s2;
	s6 =	simm.s32 $0x108;
	_ =	swait.ge @!p0 [sflag:s8], $0x0  }
0x24: {  	s3 =	sadd.s32 $0x88, s3;
	s6 =	simm.s32 @!p1 $0x1082;
	[sflag:s4] =	ssyncset.s32 $0xFFFFF086  }
0x25: {  	[simem:s6], [sflag:s4] =	dma.local [hbm:s3], $0xF7A  }
0x26: {  	[smem:$0x3F9F] =	sst s1;
	(tag) =	ssettag s2;
	_ =	strace s9  }
0x27: {  	s1 =	sld [smem:$0x3FAF]  }
0x28: {  	s2 =	sld [smem:$0x3FB0]  }
0x29: {  	s4 =	sld [smem:$0x3FB2]  }
0x2a: {  	p0 =	seq.s32 s5, $0x0;
	s5 =	sld [smem:$0x3FB3]  }
0x2b: {  	s6 =	sld [smem:$0x3FB4]  }
0x2c: {  	s7 =	sld [smem:$0x3FB5]  }
0x2d: {  	s3 =	simm.s32 $0x108;
	s8 =	sld [smem:$0x3FB6]  }
0x2e: {  	s3 =	simm.s32 @!p0 $0x1082;
	s9 =	sld [smem:$0x3FB7]  }
0x2f: {  	lr =	sadd.s32 s0, s3;
	s0 =	sld [smem:$0x3FAE]  }
0x30: {  	s3 =	sld [smem:$0x3FB1]  }
0x31: {  	[smem:$0x3FBA] =	sst s10  }
0x32: {  	s10 =	sld [smem:$0x3FB8];
	_ =	sdelay $0x3  }
0x33: {  	p0 =	seq.s32 s10, $0x1;
	s10 =	sld [smem:$0x3FBA];
	_ =	sdelay $0x3  }
0x34: {  	[smem:$0x3FBA] =	sst s10  }
0x35: {  	s10 =	sld [smem:$0x3FB9];
	_ =	sdelay $0x3  }
0x36: {  	p1 =	seq.s32 s10, $0x1;
	s10 =	sld [smem:$0x3FBA];
	_ =	sdelay $0x3  }
0x37: {  	[smem:$0x3FBA] =	sst s10  }
0x38: {  	s10 =	sld [smem:$0x3FBB]  }
0x39: {  	_ = 	snop;
	(pc) =	sbr.ind lr, $3  }
0x3a: {  	_ = 	snop  }
0x3b: {  	_ = 	snop  }
0x3c: {  	p2 =	seq.s32 s10, $0x1;
	s10 =	sld [smem:$0x3FBA]  }
0x3d: {  	_ =	shalt  }
0x3e: {  	_ =	shalt  }
0x3f: {  	_ =	shalt  }
0x40: {  	_ =	shalt  }
0x41: {  	_ =	shalt  }
0x42: {  	_ =	shalt  }
0x43: {  	_ =	shalt  }
0x44: {  	_ =	shalt  }
0x45: {  	_ =	shalt  }
0x46: {  	_ =	shalt  }
0x47: {  	_ =	shalt  }
0x48: {  	_ =	shalt  }
0x49: {  	_ =	shalt  }
0x4a: {  	_ =	shalt  }
0x4b: {  	_ =	shalt  }
0x4c: {  	_ =	shalt  }
0x4d: {  	_ =	shalt  }
0x4e: {  	_ =	shalt  }
0x4f: {  	_ =	shalt  }
0x50: {  	_ =	shalt  }
0x51: {  	_ =	shalt  }
0x52: {  	_ =	shalt  }
0x53: {  	_ =	shalt  }
0x54: {  	_ =	shalt  }
0x55: {  	_ =	shalt  }
0x56: {  	_ =	shalt  }
0x57: {  	_ =	shalt  }
0x58: {  	_ =	shalt  }
0x59: {  	_ =	shalt  }
0x5a: {  	_ =	shalt  }
0x5b: {  	_ =	shalt  }
0x5c: {  	_ =	shalt  }
0x5d: {  	_ =	shalt  }
0x5e: {  	_ =	shalt  }
0x5f: {  	_ =	shalt  }
0x60: {  	_ =	shalt  }
0x61: {  	_ =	shalt  }
0x62: {  	_ =	shalt  }
0x63: {  	_ =	shalt  }
0x64: {  	_ =	shalt  }
0x65: {  	_ =	shalt  }
0x66: {  	_ =	shalt  }
0x67: {  	_ =	shalt  }
0x68: {  	_ =	shalt  }
0x69: {  	_ =	shalt  }
0x6a: {  	_ =	shalt  }
0x6b: {  	_ =	shalt  }
0x6c: {  	_ =	shalt  }
0x6d: {  	_ =	shalt  }
0x6e: {  	_ =	shalt  }
0x6f: {  	_ =	shalt  }
0x70: {  	_ =	shalt  }
0x71: {  	_ =	shalt  }
0x72: {  	_ =	shalt  }
0x73: {  	_ =	shalt  }
0x74: {  	_ =	shalt  }
0x75: {  	_ =	shalt  }
0x76: {  	_ =	shalt  }
0x77: {  	_ =	shalt  }
0x78: {  	_ =	shalt  }
0x79: {  	_ =	shalt  }
0x7a: {  	_ =	shalt  }
0x7b: {  	_ =	shalt  }
0x7c: {  	_ =	shalt  }
0x7d: {  	_ =	shalt  }
0x7e: {  	_ =	shalt  }
0x7f: {  	_ =	shalt  }
0x80: {  	_ =	shalt  }
0x81: {  	_ =	shalt  }
0x82: {  	_ =	shalt  }
0x83: {  	_ =	shalt  }
0x84: {  	_ =	shalt  }
0x85: {  	_ =	shalt  }
0x86: {  	_ =	shalt  }
0x87: {  	_ =	shalt  }
.Lfunc_end0:
.L_simem_size_0:
called_computation.1_lowered:
.L_overlay_start_0:
0x88: {  	s2 =	sld [smem:$0x3FD9]  }
0x89: {  	s3 =	sld [smem:$0x3FFE];
	_ =	sdelay $0x1  }
0x8a: {  	s1 =	srdreg.scid  }
0x8b: {  	s0 =	sand.u32 $0x1, s1  }
0x8c: {  	s17 =	sshll.u32 s0, $0xA;
	s2 =	sadd.s32 s3, s2  }
0x8d: {  	s2 =	sadd.s32 s2, s17  }
0x8e: {  	[smem:$0x3FC6] =	sst s2  }
0x8f: {  	_ = 	snop  }
0x90: {  	s2 =	sld [smem:$0x3FD0];
	(tm) =	ssettm $0x1  }
0x91: {  	s18 =	sld [smem:$0x3FFB];
	_ =	sdelay $0x3  }
0x92: {  	_ =	strace s18  }
0x93: {  	s3 =	sld [smem:$0x3FFC];
	_ =	sdelay $0x3  }
0x94: {  	_ =	strace s3  }
0x95: {  	s3 =	sld [smem:$0x3FFD];
	_ =	sdelay $0x3  }
0x96: {  	_ =	strace s3  }
0x97: {  	_ =	strace $0x8FFFFFFF  }
0x98: {  	s19 =	sld [smem:$0x3FDB];
	_ =	sdelay $0x1  }
0x99: {  	s4 =	simm.s32 $_scs_section_size  }
0x9a: {  	s5 =	simm.s32 $_size__tile_overlayer_lowered;
	s6 =	simm.s32 $_tile_overlayer_lowered  }
0x9b: {  	s22 =	simm.s32 $0x1BFF;
	s21 =	sshll.u32 s6, $0x1;
	s3 =	sadd.s32 s4, s19  }
0x9c: {  	s7 =	simm.s32 $0x0;
	s20 =	sshll.u32 s5, $0x1;
	s5 =	sadd.s32 s21, s3  }
0x9d: {  	[timem:s7], [sflag:s22] =	dma.local [hbm:s5], s20  }
0x9e: {  	_ =	swait.ge [sflag:s22], s20  }
0x9f: {  	s4 =	ssub.s32 $0x0, s20;
	[sflag:s22] =	ssyncset.done $0x0  }
0xa0: {  	[sflag:s22] =	ssyncadd.s32 s4;
	_ =	sdelay $0x1  }
0xa1: {  	s23 =	simm.s32 $0x1B8B  }
0xa2: {  	_ =	swait.ge [sflag:s23], $0x1  }
0xa3: {  	[sflag:s23] =	ssyncset.done $0x0  }
0xa4: {  	s25 =	simm.s32 $0x1B8E;
	s24 =	sld [smem:$0x3FFE];
	[sflag:s23] =	ssyncadd.s32 $0xFFFFFFFF  }
0xa5: {  	s26 =	simm.s32 $execute0_lowered;
	[smem:$0x3FD2] =	sst s25  }
0xa6: {  	s5 =	sshll.u32 s26, $0x1;
	_ =	strace $0x80000046;
	[dreg:$0x1] =	wrdreg $0xFFFFFFFF  }
0xa7: {  	s28 =	simm.s32 $_size_execute0_lowered;
	s3 =	sadd.s32 s3, s5;
	[dreg:$0x0] =	wrdreg $0x0  }
0xa8: {  	s5 =	sshll.u32 s28, $0x1;
	[dreg:$0x2] =	wrdreg s3  }
0xa9: {  	[dreg:$0x3] =	wrdreg s5  }
0xaa: {  	[dreg:$0x4] =	wrdreg $0xC0  }
0xab: {  	_ =	task [dreg:s7], $0x5FFFF  }
0xac: {  	[dreg:$0x1] =	wrdreg $0xFFFFFFFF  }
0xad: {  	[dreg:$0x0] =	wrdreg $0x60  }
0xae: {  	[dreg:$0x2] =	wrdreg s24  }
0xaf: {  	[dreg:$0x3] =	wrdreg s2  }
0xb0: {  	[dreg:$0x4] =	wrdreg $0x9  }
0xb1: {  	_ =	task.clear_ibuf [dreg:s7], $0x5FFFF;
	_ =	strace $0x90000046  }
0xb2: {  	s29 =	simm.s32 $0x9;
	_ =	strace $0x80000048  }
0xb3: {  	_ =	swait.ge [sflag:s29], $0x1  }
0xb4: {  	[sflag:s29] =	ssyncadd.s32 $0xFFFFFFFF  }
0xb5: {  	_ =	strace $0x90000048  }
0xb6: {  	_ =	sfence  }
0xb7: {  	s30 =	sld [smem:$0x0];
	_ =	sdelay $0x2  }
0xb8: {  	s31 =	sshll.u32 s1, $0xD;
	s1 =	sshrl.u32 s1, $0x2  }
0xb9: {  	s3 =	sand.u32 $0x4000, s31;
	s1 =	sadd.s32 s1, s30  }
0xba: {  	s0 =	sor.u32 s3, s0;
	s1 =	sshll.u32 s1, $0x11  }
0xbb: {  	s0 =	sor.u32 s1, s0  }
0xbc: {  	s0 =	sadd.s32 $0x8F2B, s0  }
0xbd: {  	[sflag:s0] =	ssyncadd.remote.s32 $0x1  }
0xbe: {  	_ =	sfence.sel $0xFFFF  }
0xbf: {  	[dreg:$0x0] =	wrdreg $0xFFFFFFFF;
	(pc) =	sbr.abs _section_cstart, $3  }
0xc0: {  	[dreg:$0x1] =	wrdreg $0xFFFFFFFF  }
0xc1: {  	_ =	task.clear_ibuf [dreg:s7], $0x2FFFF;
	_ =	strace $0x9FFFFFFF  }
0xc2: {  	(tm) =	ssettm $0x7FFFFFFF  }
0xc3: {  	_ =	shalt  }
tec
execute0_lowered:
.L_overlay_start_1:
0x0: {  	(tag) =	ssettag $0x1  }
0x1: {  	s0 =	srdreg.scid;
	s4 =	rddreg [dreg:$0x0]  }
0x2: {  	s1 =	stileid.u32;
	s2 =	rddreg [dreg:$0x1];
	s3 =	simm.s32 $0x0  }
0x3: {  	s11 =	simm.s32 $0x9;
	s12 =	simm.s32 $0x80;
	s19 =	simm.s32 $0x1  }
0x4: {  	s20 =	simm.s32 $0xE400;
	s21 =	simm.s32 $0x2;
	s22 =	simm.s32 $0x10400  }
0x5: {  	s23 =	simm.s32 $0x3;
	s24 =	simm.s32 $0x12400;
	s25 =	simm.s32 $0x4  }
0x6: {  	s26 =	simm.s32 $0x14400;
	s0 =	sand.u32 $0x1, s0;
	s1 =	sshll.u32 s1, $0x1  }
0x7: {  	s28 =	simm.s32 $0x5;
	s29 =	simm.s32 $0x6;
	s1 =	sor.u32 s0, s1  }
0x8: {  	s30 =	simm.s32 $0x7;
	s0 =	ssub.s32 $0x2, s0;
	s9 =	smul.u32 $0x6400, s1  }
0x9: {  	s31 =	simm.s32 $0x8;
	[smem:$0x7FF] =	sst s3;
	s7 =	sshrl.u32 s0, $0x1  }
0xa: {  	_ =	strace $0x80000047;
	s0 =	ssub.s32 s0, s7;
	s5 =	sshrl.u32 s9, $0x3  }
0xb: {  	s7 =	sor.u32 $0x80, s9;
	s6 =	sadd.s32 s5, s4;
	s5 =	smul.u32 $0x190000, s1  }
0xc: {  	s9 =	sor.u32 $0x180, s9;
	s10 =	smax.u32 s0, $0x1;
	s4 =	sadd.s32 $0xF42E00, s4  }
0xd: {  	s1 =	simm.s32 $0x0;
	s6 =	sadd.s32 $0xA00, s6;
	s8 =	sor.u32 $0x4000, s5  }
.LBB2_1:
0xe: {  	[tilespmem:s3], [sflag:$0x9] =	stream.linear.gather [hbm4b:s6+s3], $0x6400, $0x38;
	[tilespmem:$0x16400] =	vst v63  }
0xf: {  	_ =	swait.ge [sflag:s11], $0x6400  }
0x10: {  	[sflag:s11] =	ssyncset.done $0x0  }
0x11: {  	s0 =	simm.s32 $0x6400;
	[sflag:s11] =	ssyncadd.s32 $0xFFFF9C00  }
0x12: {  	[tilespmem:s0], [sflag:$0x1] =	stream.indirect.gather [hbm4b:s4+s12], $0x40, s3, s12, $0xb8;
	[tilespmem:$0x16400] =	vst v63  }
0x13: {  	s15 =	simm.s32 $0x8400  }
0x14: {  	[tilespmem:s15], [sflag:$0x2] =	stream.indirect.gather [hbm4b:s4+s12], $0x40, s12, s12, $0xb8;
	[tilespmem:$0x16400] =	vst v63  }
0x15: {  	s16 =	simm.s32 $0x100;
	s13 =	simm.s32 $0xA400  }
0x16: {  	[tilespmem:s13], [sflag:$0x3] =	stream.indirect.gather [hbm4b:s4+s12], $0x40, s16, s12, $0xb8;
	[tilespmem:$0x16400] =	vst v63  }
0x17: {  	s17 =	simm.s32 $0x180;
	s18 =	simm.s32 $0xC400;
	s0 =	simm.s32 $0x0  }
0x18: {  	[tilespmem:s18], [sflag:$0x4] =	stream.indirect.gather [hbm4b:s4+s12], $0x40, s17, s12, $0xb8;
	[tilespmem:$0x16400] =	vst v63  }
.LBB2_2:
0x19: {  	_ =	swait.ge [sflag:s19], $0x2000  }
0x1a: {  	p0 =	seq.s32 s0, $0x0;
	[sflag:s19] =	ssyncset.done $0x0  }
0x1b: {  	s13 =	simm.s32 @!p0 $0x5;
	[sflag:s19] =	ssyncadd.s32 $0xFFFFE000  }
0x1c: {  	_ =	swait.ge @!p0 [sflag:s13], $0x2000  }
0x1d: {  	[sflag:s13] =	ssyncset.done @!p0 $0x0  }
0x1e: {  	s14 =	simm.s32 $0x0;
	[sflag:s13] =	ssyncadd.s32 @!p0 $0xFFFFE000  }
0x1f: {  	v0 =	vld [tilespmem:s14+$0x64F0]  }
0x20: {  	v1 =	vld [tilespmem:s14+$0x6400]  }
0x21: {  	v2 =	vld [tilespmem:s14+$0x6410]  }
0x22: {  	v3 =	vld [tilespmem:s14+$0x6420]  }
0x23: {  	v6 =	vld [tilespmem:s14+$0x6450]  }
0x24: {  	v4 =	vld [tilespmem:s14+$0x6430];
	v0 =	vmul.f32 $8.000000000e+00, v0  }
0x25: {  	v5 =	vld [tilespmem:s14+$0x6440];
	v1 =	vmul.f32 $8.000000000e+00, v1  }
0x26: {  	v7 =	vld [tilespmem:s14+$0x6460];
	[tilespmem:s14+$0xE4F0] =	vst v0;
	v0 =	vmul.f32 $8.000000000e+00, v2  }
0x27: {  	v8 =	vld [tilespmem:s14+$0x6470];
	[tilespmem:s14+$0xE400] =	vst v1;
	v1 =	vmul.f32 $8.000000000e+00, v3  }
0x28: {  	v2 =	vmul.f32 $8.000000000e+00, v6;
	[tilespmem:s14+$0xE410] =	vst v0  }
0x29: {  	v9 =	vld [tilespmem:s14+$0x6480];
	v0 =	vmul.f32 $8.000000000e+00, v4;
	[tilespmem:s14+$0xE420] =	vst v1  }
0x2a: {  	v4 =	vld [tilespmem:s14+$0x6490];
	v1 =	vmul.f32 $8.000000000e+00, v5;
	[tilespmem:s14+$0xE450] =	vst v2  }
0x2b: {  	v3 =	vmul.f32 $8.000000000e+00, v7;
	[tilespmem:s14+$0xE430] =	vst v0;
	v0 =	vld [tilespmem:s14+$0x64A0]  }
0x2c: {  	v5 =	vmul.f32 $8.000000000e+00, v8;
	[tilespmem:s14+$0xE440] =	vst v1;
	v1 =	vld [tilespmem:s14+$0x64B0]  }
0x2d: {  	v2 =	vld [tilespmem:s14+$0x64C0];
	[tilespmem:s14+$0xE460] =	vst v3  }
0x2e: {  	v3 =	vld [tilespmem:s14+$0x64D0];
	[tilespmem:s14+$0xE470] =	vst v5;
	v5 =	vmul.f32 $8.000000000e+00, v9  }
0x2f: {  	s15 =	simm.s32 $0x100;
	s16 =	simm.s32 $0x800;
	s13 =	sshll.u32 s0, $0xB;
	v6 =	vmul.f32 $8.000000000e+00, v4;
	v4 =	vld [tilespmem:s14+$0x64E0]  }
.LBB2_3:
0x30: {  	p1 =	sne.s32 s16, $0x7C00;
	v7 =	vld [tilespmem:s15+$0x64F0];
	[tilespmem:s14+$0xE480] =	vst v5;
	v0 =	vmul.f32 $8.000000000e+00, v0  }
0x31: {  	v5 =	vld [tilespmem:s15+$0x6400];
	[tilespmem:s14+$0xE490] =	vst v6;
	v1 =	vmul.f32 $8.000000000e+00, v1  }
0x32: {  	v6 =	vld [tilespmem:s15+$0x6410];
	[tilespmem:s14+$0xE4A0] =	vst v0;
	v0 =	vmul.f32 $8.000000000e+00, v2  }
0x33: {  	v2 =	vld [tilespmem:s15+$0x6420];
	[tilespmem:s14+$0xE4B0] =	vst v1;
	v1 =	vmul.f32 $8.000000000e+00, v3  }
0x34: {  	v3 =	vld [tilespmem:s15+$0x6430];
	[tilespmem:s14+$0xE4C0] =	vst v0;
	v0 =	vmul.f32 $8.000000000e+00, v4  }
0x35: {  	v4 =	vld [tilespmem:s15+$0x6440];
	v7 =	vmul.f32 $8.000000000e+00, v7;
	[tilespmem:s14+$0xE4D0] =	vst v1  }
0x36: {  	v1 =	vmul.f32 $8.000000000e+00, v5;
	v5 =	vld [tilespmem:s15+$0x6450];
	[tilespmem:s14+$0xE4E0] =	vst v0;
	s14 =	smov.u32 s15  }
0x37: {  	v0 =	vmul.f32 $8.000000000e+00, v6;
	v6 =	vld [tilespmem:s14+$0x6460];
	[tilespmem:s14+$0xE4F0] =	vst v7  }
0x38: {  	[tilespmem:s14+$0xE400] =	vst v1;
	v1 =	vmul.f32 $8.000000000e+00, v2;
	v2 =	vld [tilespmem:s14+$0x6470]  }
0x39: {  	[tilespmem:s14+$0xE410] =	vst v0;
	v0 =	vmul.f32 $8.000000000e+00, v3;
	v3 =	vld [tilespmem:s14+$0x6480]  }
0x3a: {  	[tilespmem:s14+$0xE420] =	vst v1;
	v1 =	vmul.f32 $8.000000000e+00, v4;
	v4 =	vld [tilespmem:s14+$0x6490]  }
.Ltmp0:
0x3b: {  	[tilespmem:s14+$0xE430] =	vst v0;
	v5 =	vmul.f32 $8.000000000e+00, v5;
	v0 =	vld [tilespmem:s14+$0x64A0];
	(pc) =	sbr.rel @p1 .LBB2_3-.Ltmp0, $4  }
0x3c: {  	[tilespmem:s14+$0xE440] =	vst v1;
	v6 =	vmul.f32 $8.000000000e+00, v6;
	v1 =	vld [tilespmem:s14+$0x64B0]  }
0x3d: {  	[tilespmem:s14+$0xE450] =	vst v5;
	v7 =	vmul.f32 $8.000000000e+00, v2;
	v2 =	vld [tilespmem:s14+$0x64C0]  }
0x3e: {  	[tilespmem:s14+$0xE460] =	vst v6;
	v5 =	vmul.f32 $8.000000000e+00, v3;
	v3 =	vld [tilespmem:s14+$0x64D0]  }
0x3f: {  	s15 =	sshra.s32 s16, $0x2;
	s16 =	sadd.s32 $0x400, s16;
	[tilespmem:s14+$0xE470] =	vst v7;
	v6 =	vmul.f32 $8.000000000e+00, v4;
	v4 =	vld [tilespmem:s14+$0x64E0]  }
0x40: {  	v7 =	vld [tilespmem:s15+$0x64F0];
	[tilespmem:s14+$0xE480] =	vst v5;
	v0 =	vmul.f32 $8.000000000e+00, v0  }
0x41: {  	v5 =	vld [tilespmem:s15+$0x6400];
	[tilespmem:s14+$0xE490] =	vst v6;
	v1 =	vmul.f32 $8.000000000e+00, v1  }
0x42: {  	v6 =	vld [tilespmem:s15+$0x6410];
	[tilespmem:s14+$0xE4A0] =	vst v0;
	v2 =	vmul.f32 $8.000000000e+00, v2  }
0x43: {  	v0 =	vld [tilespmem:s15+$0x6420];
	[tilespmem:s14+$0xE4B0] =	vst v1;
	v3 =	vmul.f32 $8.000000000e+00, v3  }
0x44: {  	v1 =	vld [tilespmem:s15+$0x6430];
	[tilespmem:s14+$0xE4C0] =	vst v2;
	v4 =	vmul.f32 $8.000000000e+00, v4  }
0x45: {  	v2 =	vld [tilespmem:s15+$0x6440];
	[tilespmem:s14+$0xE4D0] =	vst v3;
	v7 =	vmul.f32 $8.000000000e+00, v7  }
0x46: {  	v3 =	vld [tilespmem:s15+$0x6450];
	[tilespmem:s14+$0xE4E0] =	vst v4;
	v4 =	vmul.f32 $8.000000000e+00, v5  }
0x47: {  	v5 =	vld [tilespmem:s15+$0x6460];
	[tilespmem:s15+$0xE4F0] =	vst v7;
	v6 =	vmul.f32 $8.000000000e+00, v6  }
0x48: {  	[tilespmem:s15+$0xE400] =	vst v4;
	v4 =	vld [tilespmem:s15+$0x6470];
	v0 =	vmul.f32 $8.000000000e+00, v0  }
0x49: {  	[tilespmem:s15+$0xE410] =	vst v6;
	v6 =	vld [tilespmem:s15+$0x6480];
	v1 =	vmul.f32 $8.000000000e+00, v1  }
0x4a: {  	[tilespmem:s15+$0xE420] =	vst v0;
	v0 =	vld [tilespmem:s15+$0x6490];
	v2 =	vmul.f32 $8.000000000e+00, v2  }
0x4b: {  	[tilespmem:s15+$0xE430] =	vst v1;
	v1 =	vld [tilespmem:s15+$0x64A0];
	v3 =	vmul.f32 $8.000000000e+00, v3  }
0x4c: {  	[tilespmem:s15+$0xE440] =	vst v2;
	v2 =	vld [tilespmem:s15+$0x64B0];
	v5 =	vmul.f32 $8.000000000e+00, v5  }
0x4d: {  	[tilespmem:s15+$0xE450] =	vst v3;
	v3 =	vld [tilespmem:s15+$0x64C0];
	v4 =	vmul.f32 $8.000000000e+00, v4  }
0x4e: {  	[tilespmem:s15+$0xE460] =	vst v5;
	v5 =	vld [tilespmem:s15+$0x64D0];
	v6 =	vmul.f32 $8.000000000e+00, v6  }
0x4f: {  	[tilespmem:s15+$0xE470] =	vst v4;
	v0 =	vmul.f32 $8.000000000e+00, v0;
	v4 =	vld [tilespmem:s15+$0x64E0]  }
0x50: {  	[tilespmem:s15+$0xE480] =	vst v6;
	v1 =	vmul.f32 $8.000000000e+00, v1  }
0x51: {  	[tilespmem:s15+$0xE490] =	vst v0;
	v0 =	vmul.f32 $8.000000000e+00, v2  }
0x52: {  	[tilespmem:s15+$0xE4A0] =	vst v1;
	v1 =	vmul.f32 $8.000000000e+00, v3  }
0x53: {  	[tilespmem:s15+$0xE4B0] =	vst v0;
	v0 =	vmul.f32 $8.000000000e+00, v5  }
0x54: {  	p1 =	seq.s32 s0, $0x31;
	[tilespmem:s15+$0xE4C0] =	vst v1;
	v1 =	vmul.f32 $8.000000000e+00, v4  }
0x55: {  	s13 =	sshrl.u32 @!p1 s13, $0x2;
	[tilespmem:s15+$0xE4D0] =	vst v0  }
0x56: {  	s16 =	simm.s32 @!p1 $0x6400;
	s14 =	sadd.s32 @!p1 $0x200, s13;
	[tilespmem:s15+$0xE4E0] =	vst v1;
	s15 =	simm.s32 @!p1 $0x80  }
0x57: {  	[tilespmem:s16], [sflag:$0x1] =	stream.indirect.gather @!p1 [hbm4b:s4+s15], $0x40, s14, s15, $0xb8;
	[tilespmem:$0x16400] =	vst v63  }
0x58: {  	s14 =	sshll.u32 s0, $0xF  }
0x59: {  	s18 =	sadd.s32 s5, s14  }
0x5a: {  	s15 =	sshrl.u32 s18, $0x3  }
0x5b: {  	s15 =	sadd.s32 s2, s15  }
0x5c: {  	[hbm4b:s15+s3] =	stream.linear.scatter [tilespmem:s20], [sflag:$0x5], $0x2000, $0x38;
	[tilespmem:$0x16400] =	vst v63  }
0x5d: {  	_ =	swait.ge [sflag:s21], $0x2000  }
0x5e: {  	[sflag:s21] =	ssyncset.done $0x0  }
0x5f: {  	s15 =	simm.s32 @!p0 $0x6;
	[sflag:s21] =	ssyncadd.s32 $0xFFFFE000  }
0x60: {  	_ =	swait.ge @!p0 [sflag:s15], $0x2000  }
0x61: {  	[sflag:s15] =	ssyncset.done @!p0 $0x0  }
0x62: {  	[sflag:s15] =	ssyncadd.s32 @!p0 $0xFFFFE000;
	s15 =	simm.s32 $0x0  }
0x63: {  	v0 =	vld [tilespmem:s15+$0x84F0]  }
0x64: {  	v1 =	vld [tilespmem:s15+$0x8400]  }
0x65: {  	v2 =	vld [tilespmem:s15+$0x8410]  }
0x66: {  	v3 =	vld [tilespmem:s15+$0x8420]  }
0x67: {  	v6 =	vld [tilespmem:s15+$0x8450]  }
0x68: {  	v4 =	vld [tilespmem:s15+$0x8430];
	v0 =	vmul.f32 $8.000000000e+00, v0  }
0x69: {  	v5 =	vld [tilespmem:s15+$0x8440];
	v1 =	vmul.f32 $8.000000000e+00, v1  }
0x6a: {  	v7 =	vld [tilespmem:s15+$0x8460];
	[tilespmem:s15+$0x104F0] =	vst v0;
	v0 =	vmul.f32 $8.000000000e+00, v2  }
0x6b: {  	v8 =	vld [tilespmem:s15+$0x8470];
	[tilespmem:s15+$0x10400] =	vst v1;
	v1 =	vmul.f32 $8.000000000e+00, v3  }
0x6c: {  	v2 =	vmul.f32 $8.000000000e+00, v6;
	[tilespmem:s15+$0x10410] =	vst v0  }
0x6d: {  	v9 =	vld [tilespmem:s15+$0x8480];
	v0 =	vmul.f32 $8.000000000e+00, v4;
	[tilespmem:s15+$0x10420] =	vst v1  }
0x6e: {  	v4 =	vld [tilespmem:s15+$0x8490];
	v1 =	vmul.f32 $8.000000000e+00, v5;
	[tilespmem:s15+$0x10450] =	vst v2  }
0x6f: {  	v3 =	vmul.f32 $8.000000000e+00, v7;
	[tilespmem:s15+$0x10430] =	vst v0;
	v0 =	vld [tilespmem:s15+$0x84A0]  }
0x70: {  	v5 =	vmul.f32 $8.000000000e+00, v8;
	[tilespmem:s15+$0x10440] =	vst v1;
	v1 =	vld [tilespmem:s15+$0x84B0]  }
0x71: {  	v2 =	vld [tilespmem:s15+$0x84C0];
	[tilespmem:s15+$0x10460] =	vst v3  }
0x72: {  	v3 =	vld [tilespmem:s15+$0x84D0];
	[tilespmem:s15+$0x10470] =	vst v5;
	v5 =	vmul.f32 $8.000000000e+00, v9  }
0x73: {  	s17 =	simm.s32 $0x800;
	s16 =	simm.s32 $0x100;
	v6 =	vmul.f32 $8.000000000e+00, v4;
	v4 =	vld [tilespmem:s15+$0x84E0]  }
.LBB2_5:
0x74: {  	p2 =	sne.s32 s17, $0x7C00;
	v7 =	vld [tilespmem:s16+$0x84F0];
	[tilespmem:s15+$0x10480] =	vst v5;
	v0 =	vmul.f32 $8.000000000e+00, v0  }
0x75: {  	v5 =	vld [tilespmem:s16+$0x8400];
	[tilespmem:s15+$0x10490] =	vst v6;
	v1 =	vmul.f32 $8.000000000e+00, v1  }
0x76: {  	v6 =	vld [tilespmem:s16+$0x8410];
	[tilespmem:s15+$0x104A0] =	vst v0;
	v0 =	vmul.f32 $8.000000000e+00, v2  }
0x77: {  	v2 =	vld [tilespmem:s16+$0x8420];
	[tilespmem:s15+$0x104B0] =	vst v1;
	v1 =	vmul.f32 $8.000000000e+00, v3  }
0x78: {  	v3 =	vld [tilespmem:s16+$0x8430];
	[tilespmem:s15+$0x104C0] =	vst v0;
	v0 =	vmul.f32 $8.000000000e+00, v4  }
0x79: {  	v4 =	vld [tilespmem:s16+$0x8440];
	v7 =	vmul.f32 $8.000000000e+00, v7;
	[tilespmem:s15+$0x104D0] =	vst v1  }
0x7a: {  	v1 =	vmul.f32 $8.000000000e+00, v5;
	v5 =	vld [tilespmem:s16+$0x8450];
	[tilespmem:s15+$0x104E0] =	vst v0;
	s15 =	smov.u32 s16  }
0x7b: {  	v0 =	vmul.f32 $8.000000000e+00, v6;
	v6 =	vld [tilespmem:s15+$0x8460];
	[tilespmem:s15+$0x104F0] =	vst v7  }
0x7c: {  	[tilespmem:s15+$0x10400] =	vst v1;
	v1 =	vmul.f32 $8.000000000e+00, v2;
	v2 =	vld [tilespmem:s15+$0x8470]  }
0x7d: {  	[tilespmem:s15+$0x10410] =	vst v0;
	v0 =	vmul.f32 $8.000000000e+00, v3;
	v3 =	vld [tilespmem:s15+$0x8480]  }
0x7e: {  	[tilespmem:s15+$0x10420] =	vst v1;
	v1 =	vmul.f32 $8.000000000e+00, v4;
	v4 =	vld [tilespmem:s15+$0x8490]  }
.Ltmp1:
0x7f: {  	[tilespmem:s15+$0x10430] =	vst v0;
	v5 =	vmul.f32 $8.000000000e+00, v5;
	v0 =	vld [tilespmem:s15+$0x84A0];
	(pc) =	sbr.rel @p2 .LBB2_5-.Ltmp1, $4  }
0x80: {  	[tilespmem:s15+$0x10440] =	vst v1;
	v6 =	vmul.f32 $8.000000000e+00, v6;
	v1 =	vld [tilespmem:s15+$0x84B0]  }
0x81: {  	[tilespmem:s15+$0x10450] =	vst v5;
	v7 =	vmul.f32 $8.000000000e+00, v2;
	v2 =	vld [tilespmem:s15+$0x84C0]  }
0x82: {  	[tilespmem:s15+$0x10460] =	vst v6;
	v5 =	vmul.f32 $8.000000000e+00, v3;
	v3 =	vld [tilespmem:s15+$0x84D0]  }
0x83: {  	s16 =	sshra.s32 s17, $0x2;
	s17 =	sadd.s32 $0x400, s17;
	[tilespmem:s15+$0x10470] =	vst v7;
	v6 =	vmul.f32 $8.000000000e+00, v4;
	v4 =	vld [tilespmem:s15+$0x84E0]  }
0x84: {  	v7 =	vld [tilespmem:s16+$0x84F0];
	[tilespmem:s15+$0x10480] =	vst v5;
	v0 =	vmul.f32 $8.000000000e+00, v0  }
0x85: {  	v5 =	vld [tilespmem:s16+$0x8400];
	[tilespmem:s15+$0x10490] =	vst v6;
	v1 =	vmul.f32 $8.000000000e+00, v1  }
0x86: {  	v6 =	vld [tilespmem:s16+$0x8410];
	[tilespmem:s15+$0x104A0] =	vst v0;
	v2 =	vmul.f32 $8.000000000e+00, v2  }
0x87: {  	v0 =	vld [tilespmem:s16+$0x8420];
	[tilespmem:s15+$0x104B0] =	vst v1;
	v3 =	vmul.f32 $8.000000000e+00, v3  }
0x88: {  	v1 =	vld [tilespmem:s16+$0x8430];
	[tilespmem:s15+$0x104C0] =	vst v2;
	v4 =	vmul.f32 $8.000000000e+00, v4  }
0x89: {  	v2 =	vld [tilespmem:s16+$0x8440];
	[tilespmem:s15+$0x104D0] =	vst v3;
	v7 =	vmul.f32 $8.000000000e+00, v7  }
0x8a: {  	v3 =	vld [tilespmem:s16+$0x8450];
	[tilespmem:s15+$0x104E0] =	vst v4;
	v4 =	vmul.f32 $8.000000000e+00, v5  }
0x8b: {  	v5 =	vld [tilespmem:s16+$0x8460];
	[tilespmem:s16+$0x104F0] =	vst v7;
	v6 =	vmul.f32 $8.000000000e+00, v6  }
0x8c: {  	[tilespmem:s16+$0x10400] =	vst v4;
	v4 =	vld [tilespmem:s16+$0x8470];
	v0 =	vmul.f32 $8.000000000e+00, v0  }
0x8d: {  	[tilespmem:s16+$0x10410] =	vst v6;
	v6 =	vld [tilespmem:s16+$0x8480];
	v1 =	vmul.f32 $8.000000000e+00, v1  }
0x8e: {  	[tilespmem:s16+$0x10420] =	vst v0;
	v0 =	vld [tilespmem:s16+$0x8490];
	v2 =	vmul.f32 $8.000000000e+00, v2  }
0x8f: {  	[tilespmem:s16+$0x10430] =	vst v1;
	v1 =	vld [tilespmem:s16+$0x84A0];
	v3 =	vmul.f32 $8.000000000e+00, v3  }
0x90: {  	[tilespmem:s16+$0x10440] =	vst v2;
	v2 =	vld [tilespmem:s16+$0x84B0];
	v5 =	vmul.f32 $8.000000000e+00, v5  }
0x91: {  	[tilespmem:s16+$0x10450] =	vst v3;
	v3 =	vld [tilespmem:s16+$0x84C0];
	v4 =	vmul.f32 $8.000000000e+00, v4  }
0x92: {  	[tilespmem:s16+$0x10460] =	vst v5;
	v5 =	vld [tilespmem:s16+$0x84D0];
	v6 =	vmul.f32 $8.000000000e+00, v6  }
0x93: {  	[tilespmem:s16+$0x10470] =	vst v4;
	v0 =	vmul.f32 $8.000000000e+00, v0;
	v4 =	vld [tilespmem:s16+$0x84E0]  }
0x94: {  	[tilespmem:s16+$0x10480] =	vst v6;
	v1 =	vmul.f32 $8.000000000e+00, v1  }
0x95: {  	[tilespmem:s16+$0x10490] =	vst v0;
	v0 =	vmul.f32 $8.000000000e+00, v2  }
0x96: {  	[tilespmem:s16+$0x104A0] =	vst v1;
	v1 =	vmul.f32 $8.000000000e+00, v3  }
0x97: {  	[tilespmem:s16+$0x104B0] =	vst v0;
	v0 =	vmul.f32 $8.000000000e+00, v5  }
0x98: {  	[tilespmem:s16+$0x104C0] =	vst v1;
	v1 =	vmul.f32 $8.000000000e+00, v4  }
0x99: {  	[tilespmem:s16+$0x104D0] =	vst v0  }
0x9a: {  	s17 =	simm.s32 @!p1 $0x8400;
	s15 =	sadd.s32 @!p1 $0x280, s13;
	[tilespmem:s16+$0x104E0] =	vst v1;
	s16 =	simm.s32 @!p1 $0x80  }
0x9b: {  	[tilespmem:s17], [sflag:$0x2] =	stream.indirect.gather @!p1 [hbm4b:s4+s16], $0x40, s15, s16, $0xb8;
	[tilespmem:$0x16400] =	vst v63  }
0x9c: {  	s15 =	sshll.u32 s0, $0x9  }
0x9d: {  	s18 =	sadd.s32 s15, s7  }
0x9e: {  	s16 =	sshll.u32 s18, $0x3  }
0x9f: {  	s16 =	sand.u32 $0x1FFFF400, s16  }
0xa0: {  	s16 =	sadd.s32 s2, s16  }
0xa1: {  	[hbm4b:s16+s3] =	stream.linear.scatter [tilespmem:s22], [sflag:$0x6], $0x2000, $0x38;
	[tilespmem:$0x16400] =	vst v63  }
0xa2: {  	_ =	swait.ge [sflag:s23], $0x2000  }
0xa3: {  	[sflag:s23] =	ssyncset.done $0x0  }
0xa4: {  	s16 =	simm.s32 @!p0 $0x7;
	[sflag:s23] =	ssyncadd.s32 $0xFFFFE000  }
0xa5: {  	_ =	swait.ge @!p0 [sflag:s16], $0x2000  }
0xa6: {  	[sflag:s16] =	ssyncset.done @!p0 $0x0  }
0xa7: {  	[sflag:s16] =	ssyncadd.s32 @!p0 $0xFFFFE000;
	s16 =	simm.s32 $0x0  }
0xa8: {  	v0 =	vld [tilespmem:s16+$0xA4F0]  }
0xa9: {  	v1 =	vld [tilespmem:s16+$0xA400]  }
0xaa: {  	v2 =	vld [tilespmem:s16+$0xA410]  }
0xab: {  	v3 =	vld [tilespmem:s16+$0xA420]  }
0xac: {  	v6 =	vld [tilespmem:s16+$0xA450]  }
0xad: {  	v4 =	vld [tilespmem:s16+$0xA430];
	v0 =	vmul.f32 $8.000000000e+00, v0  }
0xae: {  	v5 =	vld [tilespmem:s16+$0xA440];
	v1 =	vmul.f32 $8.000000000e+00, v1  }
0xaf: {  	v7 =	vld [tilespmem:s16+$0xA460];
	[tilespmem:s16+$0x124F0] =	vst v0;
	v0 =	vmul.f32 $8.000000000e+00, v2  }
0xb0: {  	v8 =	vld [tilespmem:s16+$0xA470];
	[tilespmem:s16+$0x12400] =	vst v1;
	v1 =	vmul.f32 $8.000000000e+00, v3  }
0xb1: {  	v2 =	vmul.f32 $8.000000000e+00, v6;
	[tilespmem:s16+$0x12410] =	vst v0  }
0xb2: {  	v9 =	vld [tilespmem:s16+$0xA480];
	v0 =	vmul.f32 $8.000000000e+00, v4;
	[tilespmem:s16+$0x12420] =	vst v1  }
0xb3: {  	v4 =	vld [tilespmem:s16+$0xA490];
	v1 =	vmul.f32 $8.000000000e+00, v5;
	[tilespmem:s16+$0x12450] =	vst v2  }
0xb4: {  	v3 =	vmul.f32 $8.000000000e+00, v7;
	[tilespmem:s16+$0x12430] =	vst v0;
	v0 =	vld [tilespmem:s16+$0xA4A0]  }
0xb5: {  	v5 =	vmul.f32 $8.000000000e+00, v8;
	[tilespmem:s16+$0x12440] =	vst v1;
	v1 =	vld [tilespmem:s16+$0xA4B0]  }
0xb6: {  	v2 =	vld [tilespmem:s16+$0xA4C0];
	[tilespmem:s16+$0x12460] =	vst v3  }
0xb7: {  	v3 =	vld [tilespmem:s16+$0xA4D0];
	[tilespmem:s16+$0x12470] =	vst v5;
	v5 =	vmul.f32 $8.000000000e+00, v9  }
0xb8: {  	s17 =	simm.s32 $0x100;
	s18 =	simm.s32 $0x800;
	v6 =	vmul.f32 $8.000000000e+00, v4;
	v4 =	vld [tilespmem:s16+$0xA4E0]  }
.LBB2_7:
0xb9: {  	p2 =	sne.s32 s18, $0x7C00;
	v7 =	vld [tilespmem:s17+$0xA4F0];
	[tilespmem:s16+$0x12480] =	vst v5;
	v0 =	vmul.f32 $8.000000000e+00, v0  }
0xba: {  	v5 =	vld [tilespmem:s17+$0xA400];
	[tilespmem:s16+$0x12490] =	vst v6;
	v1 =	vmul.f32 $8.000000000e+00, v1  }
0xbb: {  	v6 =	vld [tilespmem:s17+$0xA410];
	[tilespmem:s16+$0x124A0] =	vst v0;
	v0 =	vmul.f32 $8.000000000e+00, v2  }
0xbc: {  	v2 =	vld [tilespmem:s17+$0xA420];
	[tilespmem:s16+$0x124B0] =	vst v1;
	v1 =	vmul.f32 $8.000000000e+00, v3  }
0xbd: {  	v3 =	vld [tilespmem:s17+$0xA430];
	[tilespmem:s16+$0x124C0] =	vst v0;
	v0 =	vmul.f32 $8.000000000e+00, v4  }
0xbe: {  	v4 =	vld [tilespmem:s17+$0xA440];
	v7 =	vmul.f32 $8.000000000e+00, v7;
	[tilespmem:s16+$0x124D0] =	vst v1  }
0xbf: {  	v1 =	vmul.f32 $8.000000000e+00, v5;
	v5 =	vld [tilespmem:s17+$0xA450];
	[tilespmem:s16+$0x124E0] =	vst v0;
	s16 =	smov.u32 s17  }
0xc0: {  	v0 =	vmul.f32 $8.000000000e+00, v6;
	v6 =	vld [tilespmem:s16+$0xA460];
	[tilespmem:s16+$0x124F0] =	vst v7  }
0xc1: {  	[tilespmem:s16+$0x12400] =	vst v1;
	v1 =	vmul.f32 $8.000000000e+00, v2;
	v2 =	vld [tilespmem:s16+$0xA470]  }
0xc2: {  	[tilespmem:s16+$0x12410] =	vst v0;
	v0 =	vmul.f32 $8.000000000e+00, v3;
	v3 =	vld [tilespmem:s16+$0xA480]  }
0xc3: {  	[tilespmem:s16+$0x12420] =	vst v1;
	v1 =	vmul.f32 $8.000000000e+00, v4;
	v4 =	vld [tilespmem:s16+$0xA490]  }
.Ltmp2:
0xc4: {  	[tilespmem:s16+$0x12430] =	vst v0;
	v5 =	vmul.f32 $8.000000000e+00, v5;
	v0 =	vld [tilespmem:s16+$0xA4A0];
	(pc) =	sbr.rel @p2 .LBB2_7-.Ltmp2, $4  }
0xc5: {  	[tilespmem:s16+$0x12440] =	vst v1;
	v6 =	vmul.f32 $8.000000000e+00, v6;
	v1 =	vld [tilespmem:s16+$0xA4B0]  }
0xc6: {  	[tilespmem:s16+$0x12450] =	vst v5;
	v7 =	vmul.f32 $8.000000000e+00, v2;
	v2 =	vld [tilespmem:s16+$0xA4C0]  }
0xc7: {  	[tilespmem:s16+$0x12460] =	vst v6;
	v5 =	vmul.f32 $8.000000000e+00, v3;
	v3 =	vld [tilespmem:s16+$0xA4D0]  }
0xc8: {  	s17 =	sshra.s32 s18, $0x2;
	s18 =	sadd.s32 $0x400, s18;
	[tilespmem:s16+$0x12470] =	vst v7;
	v6 =	vmul.f32 $8.000000000e+00, v4;
	v4 =	vld [tilespmem:s16+$0xA4E0]  }
0xc9: {  	v7 =	vld [tilespmem:s17+$0xA4F0];
	[tilespmem:s16+$0x12480] =	vst v5;
	v0 =	vmul.f32 $8.000000000e+00, v0  }
0xca: {  	v5 =	vld [tilespmem:s17+$0xA400];
	[tilespmem:s16+$0x12490] =	vst v6;
	v1 =	vmul.f32 $8.000000000e+00, v1  }
0xcb: {  	v6 =	vld [tilespmem:s17+$0xA410];
	[tilespmem:s16+$0x124A0] =	vst v0;
	v2 =	vmul.f32 $8.000000000e+00, v2  }
0xcc: {  	v0 =	vld [tilespmem:s17+$0xA420];
	[tilespmem:s16+$0x124B0] =	vst v1;
	v3 =	vmul.f32 $8.000000000e+00, v3  }
0xcd: {  	v1 =	vld [tilespmem:s17+$0xA430];
	[tilespmem:s16+$0x124C0] =	vst v2;
	v4 =	vmul.f32 $8.000000000e+00, v4  }
0xce: {  	v2 =	vld [tilespmem:s17+$0xA440];
	[tilespmem:s16+$0x124D0] =	vst v3;
	v7 =	vmul.f32 $8.000000000e+00, v7  }
0xcf: {  	v3 =	vld [tilespmem:s17+$0xA450];
	[tilespmem:s16+$0x124E0] =	vst v4;
	v4 =	vmul.f32 $8.000000000e+00, v5  }
0xd0: {  	v5 =	vld [tilespmem:s17+$0xA460];
	[tilespmem:s17+$0x124F0] =	vst v7;
	v6 =	vmul.f32 $8.000000000e+00, v6  }
0xd1: {  	[tilespmem:s17+$0x12400] =	vst v4;
	v4 =	vld [tilespmem:s17+$0xA470];
	v0 =	vmul.f32 $8.000000000e+00, v0  }
0xd2: {  	[tilespmem:s17+$0x12410] =	vst v6;
	v6 =	vld [tilespmem:s17+$0xA480];
	v1 =	vmul.f32 $8.000000000e+00, v1  }
0xd3: {  	[tilespmem:s17+$0x12420] =	vst v0;
	v0 =	vld [tilespmem:s17+$0xA490];
	v2 =	vmul.f32 $8.000000000e+00, v2  }
0xd4: {  	[tilespmem:s17+$0x12430] =	vst v1;
	v1 =	vld [tilespmem:s17+$0xA4A0];
	v3 =	vmul.f32 $8.000000000e+00, v3  }
0xd5: {  	[tilespmem:s17+$0x12440] =	vst v2;
	v2 =	vld [tilespmem:s17+$0xA4B0];
	v5 =	vmul.f32 $8.000000000e+00, v5  }
0xd6: {  	[tilespmem:s17+$0x12450] =	vst v3;
	v3 =	vld [tilespmem:s17+$0xA4C0];
	v4 =	vmul.f32 $8.000000000e+00, v4  }
0xd7: {  	[tilespmem:s17+$0x12460] =	vst v5;
	v5 =	vld [tilespmem:s17+$0xA4D0];
	v6 =	vmul.f32 $8.000000000e+00, v6  }
0xd8: {  	[tilespmem:s17+$0x12470] =	vst v4;
	v0 =	vmul.f32 $8.000000000e+00, v0;
	v4 =	vld [tilespmem:s17+$0xA4E0]  }
0xd9: {  	[tilespmem:s17+$0x12480] =	vst v6;
	v1 =	vmul.f32 $8.000000000e+00, v1  }
0xda: {  	[tilespmem:s17+$0x12490] =	vst v0;
	v0 =	vmul.f32 $8.000000000e+00, v2  }
0xdb: {  	[tilespmem:s17+$0x124A0] =	vst v1;
	v1 =	vmul.f32 $8.000000000e+00, v3  }
0xdc: {  	[tilespmem:s17+$0x124B0] =	vst v0;
	v0 =	vmul.f32 $8.000000000e+00, v5  }
0xdd: {  	[tilespmem:s17+$0x124C0] =	vst v1;
	v1 =	vmul.f32 $8.000000000e+00, v4  }
0xde: {  	s18 =	simm.s32 @!p1 $0xA400;
	s14 =	sadd.s32 s14, s8;
	[tilespmem:s17+$0x124D0] =	vst v0  }
0xdf: {  	s14 =	sshrl.u32 s14, $0x3;
	s16 =	sadd.s32 @!p1 $0x300, s13;
	[tilespmem:s17+$0x124E0] =	vst v1;
	s17 =	simm.s32 @!p1 $0x80  }
0xe0: {  	[tilespmem:s18], [sflag:$0x3] =	stream.indirect.gather @!p1 [hbm4b:s4+s17], $0x40, s16, s17, $0xb8;
	[tilespmem:$0x16400] =	vst v63  }
0xe1: {  	s14 =	sadd.s32 s2, s14  }
0xe2: {  	[hbm4b:s14+s3] =	stream.linear.scatter [tilespmem:s24], [sflag:$0x7], $0x2000, $0x38;
	[tilespmem:$0x16400] =	vst v63  }
0xe3: {  	_ =	swait.ge [sflag:s25], $0x2000  }
0xe4: {  	[sflag:s25] =	ssyncset.done $0x0  }
0xe5: {  	s14 =	simm.s32 @!p0 $0x8;
	[sflag:s25] =	ssyncadd.s32 $0xFFFFE000  }
0xe6: {  	_ =	swait.ge @!p0 [sflag:s14], $0x2000  }
0xe7: {  	[sflag:s14] =	ssyncset.done @!p0 $0x0  }
0xe8: {  	[sflag:s14] =	ssyncadd.s32 @!p0 $0xFFFFE000;
	s14 =	simm.s32 $0x0  }
0xe9: {  	v0 =	vld [tilespmem:s14+$0xC4F0]  }
0xea: {  	v1 =	vld [tilespmem:s14+$0xC400]  }
0xeb: {  	v2 =	vld [tilespmem:s14+$0xC410]  }
0xec: {  	v3 =	vld [tilespmem:s14+$0xC420]  }
0xed: {  	v6 =	vld [tilespmem:s14+$0xC450]  }
0xee: {  	v4 =	vld [tilespmem:s14+$0xC430];
	v0 =	vmul.f32 $8.000000000e+00, v0  }
0xef: {  	v5 =	vld [tilespmem:s14+$0xC440];
	v1 =	vmul.f32 $8.000000000e+00, v1  }
0xf0: {  	v7 =	vld [tilespmem:s14+$0xC460];
	[tilespmem:s14+$0x144F0] =	vst v0;
	v0 =	vmul.f32 $8.000000000e+00, v2  }
0xf1: {  	v8 =	vld [tilespmem:s14+$0xC470];
	[tilespmem:s14+$0x14400] =	vst v1;
	v1 =	vmul.f32 $8.000000000e+00, v3  }
0xf2: {  	v2 =	vmul.f32 $8.000000000e+00, v6;
	[tilespmem:s14+$0x14410] =	vst v0  }
0xf3: {  	v9 =	vld [tilespmem:s14+$0xC480];
	v0 =	vmul.f32 $8.000000000e+00, v4;
	[tilespmem:s14+$0x14420] =	vst v1  }
0xf4: {  	v4 =	vld [tilespmem:s14+$0xC490];
	v1 =	vmul.f32 $8.000000000e+00, v5;
	[tilespmem:s14+$0x14450] =	vst v2  }
0xf5: {  	v3 =	vmul.f32 $8.000000000e+00, v7;
	[tilespmem:s14+$0x14430] =	vst v0;
	v0 =	vld [tilespmem:s14+$0xC4A0]  }
0xf6: {  	v5 =	vmul.f32 $8.000000000e+00, v8;
	[tilespmem:s14+$0x14440] =	vst v1;
	v1 =	vld [tilespmem:s14+$0xC4B0]  }
0xf7: {  	v2 =	vld [tilespmem:s14+$0xC4C0];
	[tilespmem:s14+$0x14460] =	vst v3  }
0xf8: {  	v3 =	vld [tilespmem:s14+$0xC4D0];
	[tilespmem:s14+$0x14470] =	vst v5;
	v5 =	vmul.f32 $8.000000000e+00, v9  }
0xf9: {  	s16 =	simm.s32 $0x100;
	s17 =	simm.s32 $0x800;
	v6 =	vmul.f32 $8.000000000e+00, v4;
	v4 =	vld [tilespmem:s14+$0xC4E0]  }
.LBB2_9:
0xfa: {  	p0 =	sne.s32 s17, $0x7C00;
	v7 =	vld [tilespmem:s16+$0xC4F0];
	[tilespmem:s14+$0x14480] =	vst v5;
	v0 =	vmul.f32 $8.000000000e+00, v0  }
0xfb: {  	v5 =	vld [tilespmem:s16+$0xC400];
	[tilespmem:s14+$0x14490] =	vst v6;
	v1 =	vmul.f32 $8.000000000e+00, v1  }
0xfc: {  	v6 =	vld [tilespmem:s16+$0xC410];
	[tilespmem:s14+$0x144A0] =	vst v0;
	v0 =	vmul.f32 $8.000000000e+00, v2  }
0xfd: {  	v2 =	vld [tilespmem:s16+$0xC420];
	[tilespmem:s14+$0x144B0] =	vst v1;
	v1 =	vmul.f32 $8.000000000e+00, v3  }
0xfe: {  	v3 =	vld [tilespmem:s16+$0xC430];
	[tilespmem:s14+$0x144C0] =	vst v0;
	v0 =	vmul.f32 $8.000000000e+00, v4  }
0xff: {  	v4 =	vld [tilespmem:s16+$0xC440];
	v7 =	vmul.f32 $8.000000000e+00, v7;
	[tilespmem:s14+$0x144D0] =	vst v1  }
0x100: {  	v1 =	vmul.f32 $8.000000000e+00, v5;
	v5 =	vld [tilespmem:s16+$0xC450];
	[tilespmem:s14+$0x144E0] =	vst v0;
	s14 =	smov.u32 s16  }
0x101: {  	v0 =	vmul.f32 $8.000000000e+00, v6;
	v6 =	vld [tilespmem:s14+$0xC460];
	[tilespmem:s14+$0x144F0] =	vst v7  }
0x102: {  	[tilespmem:s14+$0x14400] =	vst v1;
	v1 =	vmul.f32 $8.000000000e+00, v2;
	v2 =	vld [tilespmem:s14+$0xC470]  }
0x103: {  	[tilespmem:s14+$0x14410] =	vst v0;
	v0 =	vmul.f32 $8.000000000e+00, v3;
	v3 =	vld [tilespmem:s14+$0xC480]  }
0x104: {  	[tilespmem:s14+$0x14420] =	vst v1;
	v1 =	vmul.f32 $8.000000000e+00, v4;
	v4 =	vld [tilespmem:s14+$0xC490]  }
.Ltmp3:
0x105: {  	[tilespmem:s14+$0x14430] =	vst v0;
	v5 =	vmul.f32 $8.000000000e+00, v5;
	v0 =	vld [tilespmem:s14+$0xC4A0];
	(pc) =	sbr.rel @p0 .LBB2_9-.Ltmp3, $4  }
0x106: {  	[tilespmem:s14+$0x14440] =	vst v1;
	v6 =	vmul.f32 $8.000000000e+00, v6;
	v1 =	vld [tilespmem:s14+$0xC4B0]  }
0x107: {  	[tilespmem:s14+$0x14450] =	vst v5;
	v7 =	vmul.f32 $8.000000000e+00, v2;
	v2 =	vld [tilespmem:s14+$0xC4C0]  }
0x108: {  	[tilespmem:s14+$0x14460] =	vst v6;
	v5 =	vmul.f32 $8.000000000e+00, v3;
	v3 =	vld [tilespmem:s14+$0xC4D0]  }
0x109: {  	s16 =	sshra.s32 s17, $0x2;
	s17 =	sadd.s32 $0x400, s17;
	[tilespmem:s14+$0x14470] =	vst v7;
	v6 =	vmul.f32 $8.000000000e+00, v4;
	v4 =	vld [tilespmem:s14+$0xC4E0]  }
0x10a: {  	v7 =	vld [tilespmem:s16+$0xC4F0];
	[tilespmem:s14+$0x14480] =	vst v5;
	v0 =	vmul.f32 $8.000000000e+00, v0  }
0x10b: {  	v5 =	vld [tilespmem:s16+$0xC400];
	[tilespmem:s14+$0x14490] =	vst v6;
	v1 =	vmul.f32 $8.000000000e+00, v1  }
0x10c: {  	v6 =	vld [tilespmem:s16+$0xC410];
	[tilespmem:s14+$0x144A0] =	vst v0;
	v2 =	vmul.f32 $8.000000000e+00, v2  }
0x10d: {  	v0 =	vld [tilespmem:s16+$0xC420];
	[tilespmem:s14+$0x144B0] =	vst v1;
	v3 =	vmul.f32 $8.000000000e+00, v3  }
0x10e: {  	v1 =	vld [tilespmem:s16+$0xC430];
	[tilespmem:s14+$0x144C0] =	vst v2;
	v4 =	vmul.f32 $8.000000000e+00, v4  }
0x10f: {  	v2 =	vld [tilespmem:s16+$0xC440];
	[tilespmem:s14+$0x144D0] =	vst v3;
	v7 =	vmul.f32 $8.000000000e+00, v7  }
0x110: {  	v3 =	vld [tilespmem:s16+$0xC450];
	[tilespmem:s14+$0x144E0] =	vst v4;
	v50 =	vmul.f32 $8.000000000e+00, v5  }
0x111: {  	v51 =	vld [tilespmem:s16+$0xC460];
	[tilespmem:s16+$0x144F0] =	vst v7;
	v6 =	vmul.f32 $8.000000000e+00, v6  }
0x112: {  	v52 =	vld [tilespmem:s16+$0xC470];
	[tilespmem:s16+$0x14400] =	vst v50;
	v0 =	vmul.f32 $8.000000000e+00, v0  }
0x113: {  	v53 =	vld [tilespmem:s16+$0xC480];
	[tilespmem:s16+$0x14410] =	vst v6;
	v1 =	vmul.f32 $8.000000000e+00, v1  }
0x114: {  	v54 =	vld [tilespmem:s16+$0xC490];
	[tilespmem:s16+$0x14420] =	vst v0;
	v2 =	vmul.f32 $8.000000000e+00, v2  }
0x115: {  	v55 =	vld [tilespmem:s16+$0xC4A0];
	[tilespmem:s16+$0x14430] =	vst v1;
	v3 =	vmul.f32 $8.000000000e+00, v3  }
0x116: {  	v56 =	vld [tilespmem:s16+$0xC4B0];
	[tilespmem:s16+$0x14440] =	vst v2;
	v5 =	vmul.f32 $8.000000000e+00, v51  }
0x117: {  	v57 =	vld [tilespmem:s16+$0xC4C0];
	v4 =	vmul.f32 $8.000000000e+00, v52;
	[tilespmem:s16+$0x14450] =	vst v3  }
0x118: {  	v58 =	vld [tilespmem:s16+$0xC4D0];
	v6 =	vmul.f32 $8.000000000e+00, v53;
	[tilespmem:s16+$0x14460] =	vst v5  }
0x119: {  	v59 =	vld [tilespmem:s16+$0xC4E0];
	v0 =	vmul.f32 $8.000000000e+00, v54;
	[tilespmem:s16+$0x14470] =	vst v4  }
0x11a: {  	v1 =	vmul.f32 $8.000000000e+00, v55;
	[tilespmem:s16+$0x14480] =	vst v6  }
0x11b: {  	v60 =	vmul.f32 $8.000000000e+00, v56;
	[tilespmem:s16+$0x14490] =	vst v0  }
0x11c: {  	v61 =	vmul.f32 $8.000000000e+00, v57;
	[tilespmem:s16+$0x144A0] =	vst v1  }
0x11d: {  	v62 =	vmul.f32 $8.000000000e+00, v58;
	[tilespmem:s16+$0x144B0] =	vst v60  }
0x11e: {  	v63 =	vmul.f32 $8.000000000e+00, v59;
	[tilespmem:s16+$0x144C0] =	vst v61  }
0x11f: {  	s13 =	sadd.s32 @!p1 $0x380, s13;
	s0 =	sadd.s32 $0x1, s0;
	[tilespmem:s16+$0x144D0] =	vst v62  }
0x120: {  	p0 =	sne.s32 s0, $0x32;
	s14 =	simm.s32 @!p1 $0x80;
	[tilespmem:s16+$0x144E0] =	vst v63;
	s16 =	simm.s32 @!p1 $0xC400  }
0x121: {  	[tilespmem:s16], [sflag:$0x4] =	stream.indirect.gather @!p1 [hbm4b:s4+s14], $0x40, s13, s14, $0xb8;
	[tilespmem:$0x16400] =	vst v63  }
.Ltmp4:
0x122: {  	s18 =	sadd.s32 s15, s9;
	(pc) =	sbr.rel @p0 .LBB2_2-.Ltmp4, $4  }
0x123: {  	s13 =	sshll.u32 s18, $0x3  }
0x124: {  	s13 =	sand.u32 $0x1FFFFC00, s13  }
0x125: {  	s13 =	sadd.s32 s2, s13  }
0x126: {  	[hbm4b:s13+s3] =	stream.linear.scatter [tilespmem:s26], [sflag:$0x8], $0x2000, $0x38;
	[tilespmem:$0x16400] =	vst v63  }
0x127: {  	_ =	swait.ge [sflag:s28], $0x2000  }
0x128: {  	[sflag:s28] =	ssyncset.done $0x0  }
0x129: {  	[sflag:s28] =	ssyncadd.s32 $0xFFFFE000  }
0x12a: {  	_ =	swait.ge [sflag:s29], $0x2000  }
0x12b: {  	[sflag:s29] =	ssyncset.done $0x0  }
0x12c: {  	s1 =	sadd.s32 $0x1, s1;
	[sflag:s29] =	ssyncadd.s32 $0xFFFFE000  }
0x12d: {  	p0 =	sne.s32 s1, s10;
	_ =	swait.ge [sflag:s30], $0x2000  }
.Ltmp5:
0x12e: {  	[sflag:s30] =	ssyncset.done $0x0;
	(pc) =	sbr.rel @p0 .LBB2_1-.Ltmp5, $4  }
0x12f: {  	[sflag:s30] =	ssyncadd.s32 $0xFFFFE000  }
0x130: {  	_ =	swait.ge [sflag:s31], $0x2000  }
0x131: {  	[sflag:s31] =	ssyncset.done $0x0  }
0x132: {  	[sflag:s31] =	ssyncadd.s32 $0xFFFFE000  }
0x133: {  	_ =	sfence.sel $0x180000  }
0x134: {  	[bflag:$0x0] =	sbarrier.arrive $0xFFFF  }
0x135: {  	_ =	strace $0x90000047  }
0x136: {  	s0 =	stileid.u32;
	[bflag:$0x2] =	sbarrier.arrive $0xFFFF  }
0x137: {  	p0 =	sne.s32 s0, $0x0;
	s0 =	rddreg [dreg:$0x2]  }
0x138: {  	s0 =	sadd.s32 @!p0 $0x100000, s0  }
0x139: {  	[sflag:s0] =	ssyncadd.tile.s32 @!p0 $0x1;
	_ =	shalt  }
.Lfunc_end2:
_tile_overlayer_lowered:
.L_overlay_start_2:
0x13a: {  	(tag) =	ssettag $0x2  }
0x13b: {  	s0 =	rddreg [dreg:$0x0];
	s2 =	stileid.u32  }
0x13c: {  	s1 =	rddreg [dreg:$0x1];
	p0 =	sne.s32 s2, $0x0  }
0x13d: {  	s3 =	rddreg [dreg:$0x2];
	[bflag:$0x3] =	sbarrier.arrive $0xFFFF;
	s2 =	simm.s32 @!p0 $0x1C09  }
0x13e: {  	[timem:s3], [sflag:s2] =	dma.local @!p0 [hbm:s0], s1  }
0x13f: {  	s0 =	simm.s32 @!p0 $0x9  }
0x140: {  	_ =	swait.ge @!p0 [sflag:s0], s1  }
0x141: {  	s1 =	ssub.s32 @!p0 $0x0, s1;
	[sflag:s0] =	ssyncset.done @!p0 $0x0  }
0x142: {  	[sflag:s0] =	ssyncadd.s32 @!p0 s1  }
0x143: {  	[bflag:$0x3] =	sbarrier.arrive $0xFFFF  }
0x144: {  	_ =	shalt  }

// kernel: sparse-core-data-format-call.cloned.1.call-start
scs
called_computation_lowered:
.L_overlay_start_0:
0x0: {  	s2 =	sld [smem:$0x3FD9]  }
0x1: {  	s3 =	sld [smem:$0x3FFE];
	_ =	sdelay $0x1  }
0x2: {  	s1 =	srdreg.scid  }
0x3: {  	s0 =	sand.u32 $0x1, s1  }
0x4: {  	s18 =	sshll.u32 s0, $0xA;
	s2 =	sadd.s32 s3, s2  }
0x5: {  	s2 =	sadd.s32 s2, s18  }
0x6: {  	[smem:$0x3FC6] =	sst s2  }
0x7: {  	_ = 	snop  }
0x8: {  	s2 =	sld [smem:$0x3FD0];
	(tm) =	ssettm $0x1  }
0x9: {  	s19 =	sld [smem:$0x3FFB];
	_ =	sdelay $0x3  }
0xa: {  	_ =	strace s19  }
0xb: {  	s3 =	sld [smem:$0x3FFC];
	_ =	sdelay $0x3  }
0xc: {  	_ =	strace s3  }
0xd: {  	s3 =	sld [smem:$0x3FFD];
	_ =	sdelay $0x3  }
0xe: {  	_ =	strace s3  }
0xf: {  	_ =	strace $0x8FFFFFFF  }
0x10: {  	s20 =	sld [smem:$0x3FDB];
	_ =	sdelay $0x1  }
0x11: {  	s4 =	simm.s32 $_scs_section_size  }
0x12: {  	s5 =	simm.s32 $_size__tile_overlayer_lowered;
	s6 =	simm.s32 $_tile_overlayer_lowered  }
0x13: {  	s23 =	simm.s32 $0x1BFF;
	s22 =	sshll.u32 s6, $0x1;
	s3 =	sadd.s32 s4, s20  }
0x14: {  	s7 =	simm.s32 $0x0;
	s21 =	sshll.u32 s5, $0x1;
	s5 =	sadd.s32 s22, s3  }
0x15: {  	[timem:s7], [sflag:s23] =	dma.local [hbm:s5], s21  }
0x16: {  	_ =	swait.ge [sflag:s23], s21  }
0x17: {  	s4 =	ssub.s32 $0x0, s21;
	[sflag:s23] =	ssyncset.done $0x0  }
0x18: {  	[sflag:s23] =	ssyncadd.s32 s4;
	_ =	sdelay $0x1  }
0x19: {  	s24 =	simm.s32 $0x1B8B  }
0x1a: {  	_ =	swait.ge [sflag:s24], $0x1  }
0x1b: {  	[sflag:s24] =	ssyncset.done $0x0  }
0x1c: {  	s26 =	simm.s32 $0x1B8E;
	s25 =	sld [smem:$0x3FFE];
	[sflag:s24] =	ssyncadd.s32 $0xFFFFFFFF  }
0x1d: {  	s27 =	simm.s32 $execute0_lowered;
	[smem:$0x3FD2] =	sst s26  }
0x1e: {  	s5 =	sshll.u32 s27, $0x1;
	_ =	strace $0x80000049;
	[dreg:$0x1] =	wrdreg $0xFFFFFFFF  }
0x1f: {  	s28 =	simm.s32 $_size_execute0_lowered;
	s3 =	sadd.s32 s3, s5;
	[dreg:$0x0] =	wrdreg $0x0  }
0x20: {  	s5 =	sshll.u32 s28, $0x1;
	[dreg:$0x2] =	wrdreg s3  }
0x21: {  	[dreg:$0x3] =	wrdreg s5  }
0x22: {  	[dreg:$0x4] =	wrdreg $0xC0  }
0x23: {  	_ =	task [dreg:s7], $0x5FFFF  }
0x24: {  	[dreg:$0x1] =	wrdreg $0xFFFFFFFF  }
0x25: {  	[dreg:$0x0] =	wrdreg $0x60  }
0x26: {  	[dreg:$0x2] =	wrdreg s25  }
0x27: {  	[dreg:$0x3] =	wrdreg s2  }
0x28: {  	[dreg:$0x4] =	wrdreg $0x9  }
0x29: {  	_ =	task.clear_ibuf [dreg:s7], $0x5FFFF;
	_ =	strace $0x90000049  }
0x2a: {  	s29 =	simm.s32 $0x9;
	_ =	strace $0x8000004B  }
0x2b: {  	_ =	swait.ge [sflag:s29], $0x1  }
0x2c: {  	[sflag:s29] =	ssyncadd.s32 $0xFFFFFFFF  }
0x2d: {  	_ =	strace $0x9000004B  }
0x2e: {  	_ =	sfence  }
0x2f: {  	s30 =	sld [smem:$0x0];
	_ =	sdelay $0x2  }
0x30: {  	s31 =	sshll.u32 s1, $0xD;
	s1 =	sshrl.u32 s1, $0x2  }
0x31: {  	s3 =	sand.u32 $0x4000, s31;
	s1 =	sadd.s32 s1, s30  }
0x32: {  	s0 =	sor.u32 s3, s0;
	s1 =	sshll.u32 s1, $0x11  }
0x33: {  	s0 =	sor.u32 s1, s0  }
0x34: {  	s0 =	sadd.s32 $0x8F2B, s0  }
0x35: {  	[sflag:s0] =	ssyncadd.remote.s32 $0x1  }
0x36: {  	_ =	sfence.sel $0xFFFF  }
0x37: {  	[dreg:$0x0] =	wrdreg $0xFFFFFFFF;
	(pc) =	sbr.abs _section_cstart, $3  }
0x38: {  	[dreg:$0x1] =	wrdreg $0xFFFFFFFF  }
0x39: {  	_ =	task.clear_ibuf [dreg:s7], $0x2FFFF;
	_ =	strace $0x9FFFFFFF  }
0x3a: {  	(tm) =	ssettm $0x7FFFFFFF  }
0x3b: {  	_ =	shalt  }
tec
execute0_lowered:
.L_overlay_start_1:
0x0: {  	(tag) =	ssettag $0x1  }
0x1: {  	s0 =	srdreg.scid  }
0x2: {  	s1 =	sshll.u32 s0, $0x4  }
0x3: {  	s0 =	stileid.u32;
	s1 =	sand.u32 $0x10, s1  }
0x4: {  	s1 =	sor.u32 s0, s1  }
0x5: {  	s6 =	rddreg [dreg:$0x0];
	s4 =	simm.s32 $0x1;
	s2 =	sshll.u32 s1, $0x7  }
0x6: {  	s7 =	simm.s32 $0x2;
	s12 =	simm.s32 $0x0;
	s1 =	ssub.s32 $0x1000, s2  }
0x7: {  	s8 =	simm.s32 $0x8000;
	s13 =	simm.s32 $0x0;
	s3 =	sand.u32 $0xF80, s1  }
0x8: {  	s9 =	simm.s32 $0x0;
	s5 =	sshrl.u32 s1, $0xC;
	p0 =	sne.s32 s3, $0x0  }
.Ltmp0:
0x9: {  	s1 =	rddreg [dreg:$0x2];
	s4 =	simm.s32 @!p0 $0x0;
	(pc) =	sbr.rel .LBB1_1-.Ltmp0, $4  }
0xa: {  	s11 =	simm.s32 $0x0;
	s3 =	rddreg [dreg:$0x1];
	s5 =	sadd.s32 s4, s5  }
0xb: {  	_ =	strace $0x8000004A;
	s4 =	simm.s32 $0x1;
	s5 =	smul.u32 $0xC8, s5  }
0xc: {  	s6 =	sadd.s32 $0xA00, s6;
	s10 =	smov.u32 s2;
	[sflag:s4] =	ssyncpa.u1 $0x0  }
0xd: {  	p0 =	por $0x0, $0x0;
	[sflag:s7] =	ssyncpa.u1 $0x0;
	s7 =	sor.u32 $0x1, s5  }
.LBB1_4:
0xe: {  	s16 =	sshll.u32 s13, $0x3;
	s17 =	sand.u32 $0x78, s13  }
0xf: {  	s30 =	sand.u32 $0x7E00, s13;
	s12 =	sshll.u32 s12, $0xF;
	s16 =	sand.u32 $0xC00, s16  }
0x10: {  	[tilespmem:s15+$0x810 ss:$0x81] =	vst.msk $0xffff, v2;
	s31 =	sand.u32 $0x7, s13;
	s16 =	sor.u32 s17, s16;
	s17 =	sadd.s32 s3, s30  }
0x11: {  	[tilespmem:s15+$0x1020 ss:$0x81] =	vst.msk $0xffff, v0;
	s13 =	sshll.u32 s31, $0x12;
	s12 =	sadd.s32 s12, s17;
	s16 =	sshrl.u32 s16, $0x3  }
0x12: {  	[tilespmem:s15+$0x0 ss:$0x81] =	vst.msk $0xffff, v1;
	s13 =	sor.u32 $0x400, s13;
	s12 =	sadd.s32 s16, s12  }
0x13: {  	[hbm4b:s12+s13] =	stream.strided.scatter [tilespmem:s14], [sflag:$0x2], $0x2000, s8, s13, $0x20;
	[tilespmem:$0x8080] =	vst v63  }
.LBB1_5:
0x14: {  	s14 =	sadd.s32 $0x1, s9  }
0x15: {  	s12 =	sadd.s32 $0x1000, s10;
	s16 =	smov.u32 s10;
	p2 =	sgt.s32 s14, $0xC7  }
0x16: {  	s16 =	smov.u32 @p2 s12  }
0x17: {  	s14 =	simm.s32 @p2 $0x0;
	p2 =	sgt.s32 s16, $0xFFF  }
0x18: {  	s16 =	smov.u32 @p2 s2;
	p2 =	sne.s32 s11, s7  }
.Ltmp1:
0x19: {  	p1 =	slt.u32 s11, $0x2;
	(pc) =	sbr.rel @!p2 .LBB1_6-.Ltmp1, $4  }
0x1a: {  	s15 =	simm.s32 @!p1 $0x2  }
0x1b: {  	s13 =	smov.u32 s10;
	p0 =	por !p0, !p0;
	_ =	swait.ge @!p1 [sflag:s15], $0x2000  }
0x1c: {  	s12 =	smov.u32 s9;
	[sflag:s15] =	ssyncset.done @!p1 $0x0;
	s9 =	smov.u32 s14  }
0x1d: {  	s11 =	sadd.s32 $0x1, s11;
	[sflag:s15] =	ssyncadd.s32 @!p1 $0xFFFFE000;
	s10 =	smov.u32 s16  }
.LBB1_1:
0x1e: {  	p1 =	sge.u32 s11, s5  }
0x1f: {  	s14 =	sand.u32 @!p1 $0x1FFFFFF, s9  }
0x20: {  	s15 =	smulhi.u32 @!p1 $0x147AE15, s14;
	_ =	sdelay $0x1  }
0x21: {  	s15 =	smul.u32 @!p1 $0xC8, s15  }
0x22: {  	s16 =	sxor.u32 @!p1 $0xFFFFFFFF, s11;
	s17 =	smul.u32 @!p1 $0xC80, s10  }
0x23: {  	s31 =	sadd.s32 $0xFFFFFFFF, s11;
	s16 =	sshll.u32 @!p1 s16, $0xD;
	s14 =	ssub.s32 @!p1 s14, s15  }
0x24: {  	s15 =	sand.u32 @!p1 $0x2000, s16;
	s16 =	sadd.s32 @!p1 s6, s17;
	s14 =	sshll.u32 @!p1 s14, $0x4  }
0x25: {  	s17 =	simm.s32 @!p1 $0x6400;
	s14 =	sadd.s32 @!p1 s14, s16;
	s16 =	simm.s32 @!p1 $0x40  }
0x26: {  	[tilespmem:s15], [sflag:$0x1] =	stream.strided.gather @!p1 [hbm4b:s14+s16], $0x2000, s17, s16, $0x38;
	[tilespmem:$0x8080] =	vst v63  }
0x27: {  	p1 =	sge.u32 s31, s5  }
.Ltmp2:
0x28: {  	_ = 	snop;
	(pc) =	sbr.rel @p1 .LBB1_5-.Ltmp2, $1  }
0x29: {  	_ =	sdelay $0x3  }
0x2a: {  	s14 =	simm.s32 $0x1  }
0x2b: {  	_ =	swait.ge [sflag:s4], $0x2000;
	s14 =	simm.s32 @!p0 $0x0  }
0x2c: {  	[sflag:s4] =	ssyncset.done $0x0;
	s15 =	sshll.u32 s14, $0xD  }
0x2d: {  	[sflag:s4] =	ssyncadd.s32 $0xFFFFE000;
	s18 =	sor.u32 $0x20, s15  }
0x2e: {  	s14 =	smul.u32 $0x8100, s14;
	v3 =	vld [tilespmem:s18+$0x10]  }
0x2f: {  	s30 =	sand.u32 $0x1, s11;
	v2 =	vld [tilespmem:s18+$0xFFFFFFF0]  }
0x30: {  	s15 =	smul.u32 $0x8100, s30;
	s14 =	sshrl.u32 s14, $0x2;
	v0 =	vld [tilespmem:s18+$0x0]  }
0x31: {  	v1 =	vld [tilespmem:s18+$0xFFFFFFE0];
	s16 =	sor.u32 $0x4000, s14  }
0x32: {  	s31 =	sshrl.u32 s15, $0x2;
	s15 =	sadd.s32 $0x0, s16  }
0x33: {  	s17 =	simm.s32 $0x4;
	s18 =	sadd.s32 $0x40, s18;
	s14 =	sor.u32 $0x4000, s31;
	[tilespmem:s15+$0x1830 ss:$0x81] =	vst.msk $0xffff, v3  }
.LBB1_3:
0x34: {  	v3 =	vld [tilespmem:s18+$0x10];
	p1 =	sne.s32 s17, $0x1FC;
	[tilespmem:s15+$0x810 ss:$0x81] =	vst.msk $0xffff, v2;
	s19 =	smov.u32 s17;
	s17 =	sadd.s32 $0x4, s17  }
.Ltmp3:
0x35: {  	v2 =	vld [tilespmem:s18+$0xFFFFFFF0];
	[tilespmem:s15+$0x1020 ss:$0x81] =	vst.msk $0xffff, v0;
	(pc) =	sbr.rel @p1 .LBB1_3-.Ltmp3, $4  }
0x36: {  	v0 =	vld [tilespmem:s18+$0x0];
	[tilespmem:s15+$0x0 ss:$0x81] =	vst.msk $0xffff, v1  }
0x37: {  	s15 =	sshra.s32 s19, $0x2;
	v1 =	vld [tilespmem:s18+$0xFFFFFFE0]  }
0x38: {  	s15 =	sadd.s32 s15, s16  }
0x39: {  	s18 =	sadd.s32 $0x40, s18;
	[tilespmem:s15+$0x1830 ss:$0x81] =	vst.msk $0xffff, v3  }
.Ltmp4:
0x3a: {  	_ = 	snop;
	(pc) =	sbr.rel .LBB1_4-.Ltmp4, $1  }
0x3b: {  	_ =	sdelay $0x3  }
.LBB1_6:
0x3c: {  	_ =	sfence.sel $0x180000  }
0x3d: {  	s2 =	simm.s32 $0x1;
	[bflag:$0x0] =	sbarrier.arrive $0xFFFF  }
0x3e: {  	s31 =	simm.s32 $0x2;
	[sflag:s2] =	ssyncpa.u1 $0x1  }
0x3f: {  	[sflag:s31] =	ssyncpa.u1 $0x1  }
0x40: {  	p0 =	sne.s32 s0, $0x0;
	_ =	strace $0x9000004A  }
0x41: {  	s0 =	sadd.s32 @!p0 $0x100000, s1;
	[bflag:$0x2] =	sbarrier.arrive $0xFFFF  }
0x42: {  	[sflag:s0] =	ssyncadd.tile.s32 @!p0 $0x1;
	_ =	shalt  }
.Lfunc_end1:
_tile_overlayer_lowered:
.L_overlay_start_2:
0x43: {  	(tag) =	ssettag $0x2  }
0x44: {  	s0 =	rddreg [dreg:$0x0];
	s2 =	stileid.u32  }
0x45: {  	s1 =	rddreg [dreg:$0x1];
	p0 =	sne.s32 s2, $0x0  }
0x46: {  	s3 =	rddreg [dreg:$0x2];
	[bflag:$0x3] =	sbarrier.arrive $0xFFFF;
	s2 =	simm.s32 @!p0 $0x1C01  }
0x47: {  	[timem:s3], [sflag:s2] =	dma.local @!p0 [hbm:s0], s1  }
0x48: {  	s0 =	simm.s32 @!p0 $0x1  }
0x49: {  	_ =	swait.ge @!p0 [sflag:s0], s1  }
0x4a: {  	s1 =	ssub.s32 @!p0 $0x0, s1;
	[sflag:s0] =	ssyncset.done @!p0 $0x0  }
0x4b: {  	[sflag:s0] =	ssyncadd.s32 @!p0 s1  }
0x4c: {  	[bflag:$0x3] =	sbarrier.arrive $0xFFFF  }
0x4d: {  	_ =	shalt  }

</sc_bundles>
